<compile_context>
chip_gen: v7x
topology: tpu7x:2x2x1
jax: 0.10.2.dev20260603
libtpu: 0.0.44.dev20260713+nightly
codegen_flags: <defaults>
</compile_context>

<pallas_src>
import dataclasses
import functools

import jax
import jax.numpy as jnp
from jax import lax
from jax.experimental import pallas as pl
from jax.experimental.pallas import tpu as pltpu
from jax.experimental.pallas import tpu_sc as plsc

_L = 240
_MAGIC = 12582912.0
_BLK = 8192


def _sc_body(x_hbm, t_hbm, s_hbm, o_hbm, traw, sraw, tbl):
    pltpu.sync_copy(t_hbm, traw)
    pltpu.sync_copy(s_hbm, sraw)

    slv = sraw[...]
    sv = jnp.exp(slv)
    qv = _L / sv
    fac = sv / 15.0
    lane = lax.iota(jnp.int32, 16)
    zero = jnp.zeros((16,), jnp.float32)

    for r in range(16):
        tbl[pl.ds(16 * r, 16)] = zero

    carry = zero
    for r in range(15):
        t = traw[pl.ds(16 * r, 16)]
        m = jnp.broadcast_to(jnp.max(t), (16,))
        e = jnp.exp(t - m)
        den = jnp.broadcast_to(jnp.sum(e), (16,))
        p = e / den
        c = plsc.cumsum(p) + carry
        plsc.store_scatter(tbl, [lane + (241 + 16 * r)], c * fac)
        carry = jnp.broadcast_to(jnp.max(c), (16,))

    def block(inv, outv):
        @plsc.parallel_loop(0, _BLK, step=16, unroll=8)
        def _(i):
            xv = inv[pl.ds(i, 16)]
            v = jnp.minimum(jnp.maximum(xv * qv, -240.0), 240.0)
            f = (v + (_MAGIC + 240.0)) - _MAGIC
            idx = f.astype(jnp.int32)
            outv[pl.ds(i, 16)] = plsc.load_gather(tbl, [idx])

    n = x_hbm.shape[0]
    pltpu.emit_pipeline(
        block,
        grid=(n // _BLK,),
        in_specs=[pl.BlockSpec((_BLK,), lambda i: (i,))],
        out_specs=[pl.BlockSpec((_BLK,), lambda i: (i,))],
        core_axis_name=("core", "subcore"),
        dimension_semantics=(pltpu.PARALLEL,),
    )(x_hbm, o_hbm)


def kernel(x, table, scale_log):
    shape = x.shape
    n = x.size
    xf = x.reshape((n,))
    tf = table.reshape((-1,))
    sf = jnp.full((16,), scale_log, dtype=jnp.float32)

    mesh = plsc.VectorSubcoreMesh(core_axis_name="core",
                                  subcore_axis_name="subcore")
    cp = pltpu.CompilerParams()
    if "needs_layout_passes" in pltpu.CompilerParams.__dataclass_fields__:
        cp = dataclasses.replace(cp, needs_layout_passes=False)
    run = functools.partial(
        pl.kernel,
        mesh=mesh,
        compiler_params=cp,
        out_type=jax.ShapeDtypeStruct((n,), jnp.float32),
        scratch_types=[
            pltpu.VMEM((240,), jnp.float32),
            pltpu.VMEM((16,), jnp.float32),
            pltpu.VMEM((512,), jnp.float32),
        ],
    )(_sc_body)
    out = run(xf, tf, sf)
    return out.reshape(shape)

# --- scband reference (transcript-rebuilt; emitter-appended) ---
"""Pipeline reference for scband-quant-lookup-4707284156810 (READ-ONLY COPY).

The authoritative reference and input builder live on the scoring server;
editing this copy changes nothing except your own understanding.
"""

import jax, jax.numpy as jnp
import numpy as np

N_BITS = 4
GRANU = 16
RANGE = 2 ** N_BITS - 1  # is_act=True -> range = 2^n_bits - 1 = 15
L = GRANU * RANGE        # 240
TAU = 1.0                # module requires _update_tau before training forward; fixed here


def setup_inputs(seed: int = 0) -> dict:
    key = jax.random.key(seed)
    k1, k2 = jax.random.split(key)
    x = jax.random.normal(k1, (16, 256, 56, 56), dtype=jnp.float32)
    # learned params: table (range, granu); torch inits zeros, small randn keeps math nontrivial
    table = jax.random.normal(k2, (RANGE, GRANU), dtype=jnp.float32) * 0.1
    # first-call scale init: scale.data = log(x.std()*3); scale = exp(scale_param)
    scale_log = jnp.log(jnp.std(x) * 3.0)
    return {"x": x, "table": table, "scale_log": scale_log}


def _forward(x, table, scale_log):
    scale = jnp.exp(scale_log)
    # _gen_table (training path, is_act=True)
    prob = jax.nn.softmax(table / TAU, axis=1).reshape(-1)  # (L,)
    # F.conv1d(prob, T, padding=L-1) with T = step kernel (ones then zeros)
    # reduces exactly to the cumulative sum (CDF) of prob: out[j] = sum_{p<=j} prob[p]
    table_q = jnp.cumsum(prob)  # (L,)
    # is_act: F.pad left by L+1 zeros along the level axis -> length 2L+1
    table_q = jnp.concatenate([jnp.zeros((L + 1,), dtype=prob.dtype), table_q])
    table_q = table_q / RANGE

    # _lookup (training path, is_act=True)
    grid = jnp.clip(x / scale, -1.0, 1.0)
    g = jax.lax.stop_gradient(grid)
    nbins = L + 1  # table_q.numel()//2 + 1
    gmin = jnp.min(g)
    gmax = jnp.max(g)
    span = jnp.where(gmax > gmin, gmax - gmin, jnp.float32(1.0))
    bin_idx = jnp.floor((g - gmin) / span * nbins).astype(jnp.int32)
    bin_idx = jnp.clip(bin_idx, 0, nbins - 1)  # torch.histc puts max value in last bin
    hist = jnp.bincount(bin_idx.reshape(-1), length=nbins).astype(jnp.float32)
    wgt = jnp.sqrt(hist)
    wgt = jnp.concatenate([jnp.zeros((L,), dtype=wgt.dtype), wgt]) + 1e-05  # pad left by L
    numel = float(np.prod(x.shape))
    tq_d = jax.lax.stop_gradient(table_q)
    table_q = tq_d + (table_q - tq_d) / wgt * (numel / nbins)  # grad-rescaling, value unchanged

    # grid_sample(nearest, border) over a (2L+1)-long table == rounded index gather
    s = L  # table_q.shape // 2
    idx = jnp.clip(jnp.round(g * s).astype(jnp.int32) + s, 0, 2 * L)
    x_q = jnp.take(table_q, idx, axis=0)
    # straight-through: (x_q + grid - grid.data) * scale
    x_q = (x_q + grid - g) * scale
    return x_q


def reference(x, table, scale_log):
    return _forward(x, table, scale_log)

if __name__ == "__main__":
    import jax
    _d = setup_inputs()
    print(jax.jit(kernel)(*tuple(_d.values())))

</pallas_src>

<mosaic_0001>
#map = affine_map<(d0, d1) -> (0)>
module attributes {stable_mosaic.version = 14 : i64} {
  func.func @_sc_body(%arg0: i32, %arg1: i32, %arg2: memref<12845056xf32, #tpu.memory_space<hbm>>, %arg3: memref<240xf32, #tpu.memory_space<hbm>>, %arg4: memref<16xf32, #tpu.memory_space<hbm>>, %arg5: memref<12845056xf32, #tpu.memory_space<hbm>>, %arg6: memref<240xf32, #tpu.memory_space<vmem>>, %arg7: memref<16xf32, #tpu.memory_space<vmem>>, %arg8: memref<512xf32, #tpu.memory_space<vmem>>) attributes {dimension_semantics = [#tpu.dimension_semantics<core_parallel>, #tpu.dimension_semantics<subcore_parallel>], iteration_bounds = array<i64: 2, 16>, scalar_prefetch = 0 : i64, scratch_operands = 3 : i64, tpu.core_type = #tpu.core_type<sc_vector_subcore>, window_params = [{transform_indices = #map}, {transform_indices = #map}, {transform_indices = #map}, {transform_indices = #map}]} {
    "tpu.region"() ({
      %run_scoped3A = tpu.sem_alloc : memref<!tpu.dma_semaphore, #tpu.memory_space<semaphore_mem>>
      tpu.enqueue_dma source(%arg3 : memref<240xf32, #tpu.memory_space<hbm>>) target(%arg6 : memref<240xf32, #tpu.memory_space<vmem>>) target_semaphore(%run_scoped3A : memref<!tpu.dma_semaphore, #tpu.memory_space<semaphore_mem>>)
      tpu.wait_dma2 semaphore(%run_scoped3A : memref<!tpu.dma_semaphore, #tpu.memory_space<semaphore_mem>>) src(%arg3 : memref<240xf32, #tpu.memory_space<hbm>>) dst(%arg6 : memref<240xf32, #tpu.memory_space<vmem>>)
      tpu.yield
    }) : () -> ()
    "tpu.region"() ({
      %run_scoped3A = tpu.sem_alloc : memref<!tpu.dma_semaphore, #tpu.memory_space<semaphore_mem>>
      tpu.enqueue_dma source(%arg4 : memref<16xf32, #tpu.memory_space<hbm>>) target(%arg7 : memref<16xf32, #tpu.memory_space<vmem>>) target_semaphore(%run_scoped3A : memref<!tpu.dma_semaphore, #tpu.memory_space<semaphore_mem>>)
      tpu.wait_dma2 semaphore(%run_scoped3A : memref<!tpu.dma_semaphore, #tpu.memory_space<semaphore_mem>>) src(%arg4 : memref<16xf32, #tpu.memory_space<hbm>>) dst(%arg7 : memref<16xf32, #tpu.memory_space<vmem>>)
      tpu.yield
    }) : () -> ()
    %get3A = arith.constant 0 : index
    %get3A_0 = tpu.vector_load %arg7[%get3A] {strides = array<i32>} : memref<16xf32, #tpu.memory_space<vmem>>, vector<16xf32>,
    %exp3A = math.exp %get3A_0 : vector<16xf32>
    %div3A = arith.constant 2.400000e+02 : f32
    %div3A_1 = vector.broadcast %div3A : f32 to vector<16xf32>
    %div3A_2 = arith.divf %div3A_1, %exp3A : vector<16xf32>
    %div3A_3 = arith.constant 1.500000e+01 : f32
    %div3A_4 = vector.broadcast %div3A_3 : f32 to vector<16xf32>
    %div3A_5 = arith.divf %exp3A, %div3A_4 : vector<16xf32>
    %iota3A = tpu.iota {dimensions = array<i32: 0>} : vector<16xi32>
    %broadcast_in_dim3A = arith.constant 0.000000e+00 : f32
    %broadcast_in_dim3A_6 = vector.broadcast %broadcast_in_dim3A : f32 to vector<16xf32>
    %swap3A = arith.constant 0 : index
    %swap3A_7 = tpu.vector_load %arg8[%swap3A] {strides = array<i32>} : memref<512xf32, #tpu.memory_space<vmem>>, vector<16xf32>,
    tpu.vector_store %arg8[%swap3A], %broadcast_in_dim3A_6 {strides = array<i32>} : memref<512xf32, #tpu.memory_space<vmem>>, vector<16xf32>,
    %swap3A_8 = arith.constant 16 : index
    %swap3A_9 = tpu.vector_load %arg8[%swap3A_8] {strides = array<i32>} : memref<512xf32, #tpu.memory_space<vmem>>, vector<16xf32>,
    tpu.vector_store %arg8[%swap3A_8], %broadcast_in_dim3A_6 {strides = array<i32>} : memref<512xf32, #tpu.memory_space<vmem>>, vector<16xf32>,
    %swap3A_10 = arith.constant 32 : index
    %swap3A_11 = tpu.vector_load %arg8[%swap3A_10] {strides = array<i32>} : memref<512xf32, #tpu.memory_space<vmem>>, vector<16xf32>,
    tpu.vector_store %arg8[%swap3A_10], %broadcast_in_dim3A_6 {strides = array<i32>} : memref<512xf32, #tpu.memory_space<vmem>>, vector<16xf32>,
    %swap3A_12 = arith.constant 48 : index
    %swap3A_13 = tpu.vector_load %arg8[%swap3A_12] {strides = array<i32>} : memref<512xf32, #tpu.memory_space<vmem>>, vector<16xf32>,
    tpu.vector_store %arg8[%swap3A_12], %broadcast_in_dim3A_6 {strides = array<i32>} : memref<512xf32, #tpu.memory_space<vmem>>, vector<16xf32>,
    %swap3A_14 = arith.constant 64 : index
    %swap3A_15 = tpu.vector_load %arg8[%swap3A_14] {strides = array<i32>} : memref<512xf32, #tpu.memory_space<vmem>>, vector<16xf32>,
    tpu.vector_store %arg8[%swap3A_14], %broadcast_in_dim3A_6 {strides = array<i32>} : memref<512xf32, #tpu.memory_space<vmem>>, vector<16xf32>,
    %swap3A_16 = arith.constant 80 : index
    %swap3A_17 = tpu.vector_load %arg8[%swap3A_16] {strides = array<i32>} : memref<512xf32, #tpu.memory_space<vmem>>, vector<16xf32>,
    tpu.vector_store %arg8[%swap3A_16], %broadcast_in_dim3A_6 {strides = array<i32>} : memref<512xf32, #tpu.memory_space<vmem>>, vector<16xf32>,
    %swap3A_18 = arith.constant 96 : index
    %swap3A_19 = tpu.vector_load %arg8[%swap3A_18] {strides = array<i32>} : memref<512xf32, #tpu.memory_space<vmem>>, vector<16xf32>,
    tpu.vector_store %arg8[%swap3A_18], %broadcast_in_dim3A_6 {strides = array<i32>} : memref<512xf32, #tpu.memory_space<vmem>>, vector<16xf32>,
    %swap3A_20 = arith.constant 112 : index
    %swap3A_21 = tpu.vector_load %arg8[%swap3A_20] {strides = array<i32>} : memref<512xf32, #tpu.memory_space<vmem>>, vector<16xf32>,
    tpu.vector_store %arg8[%swap3A_20], %broadcast_in_dim3A_6 {strides = array<i32>} : memref<512xf32, #tpu.memory_space<vmem>>, vector<16xf32>,
    %swap3A_22 = arith.constant 128 : index
    %swap3A_23 = tpu.vector_load %arg8[%swap3A_22] {strides = array<i32>} : memref<512xf32, #tpu.memory_space<vmem>>, vector<16xf32>,
    tpu.vector_store %arg8[%swap3A_22], %broadcast_in_dim3A_6 {strides = array<i32>} : memref<512xf32, #tpu.memory_space<vmem>>, vector<16xf32>,
    %swap3A_24 = arith.constant 144 : index
    %swap3A_25 = tpu.vector_load %arg8[%swap3A_24] {strides = array<i32>} : memref<512xf32, #tpu.memory_space<vmem>>, vector<16xf32>,
    tpu.vector_store %arg8[%swap3A_24], %broadcast_in_dim3A_6 {strides = array<i32>} : memref<512xf32, #tpu.memory_space<vmem>>, vector<16xf32>,
    %swap3A_26 = arith.constant 160 : index
    %swap3A_27 = tpu.vector_load %arg8[%swap3A_26] {strides = array<i32>} : memref<512xf32, #tpu.memory_space<vmem>>, vector<16xf32>,
    tpu.vector_store %arg8[%swap3A_26], %broadcast_in_dim3A_6 {strides = array<i32>} : memref<512xf32, #tpu.memory_space<vmem>>, vector<16xf32>,
    %swap3A_28 = arith.constant 176 : index
    %swap3A_29 = tpu.vector_load %arg8[%swap3A_28] {strides = array<i32>} : memref<512xf32, #tpu.memory_space<vmem>>, vector<16xf32>,
    tpu.vector_store %arg8[%swap3A_28], %broadcast_in_dim3A_6 {strides = array<i32>} : memref<512xf32, #tpu.memory_space<vmem>>, vector<16xf32>,
    %swap3A_30 = arith.constant 192 : index
    %swap3A_31 = tpu.vector_load %arg8[%swap3A_30] {strides = array<i32>} : memref<512xf32, #tpu.memory_space<vmem>>, vector<16xf32>,
    tpu.vector_store %arg8[%swap3A_30], %broadcast_in_dim3A_6 {strides = array<i32>} : memref<512xf32, #tpu.memory_space<vmem>>, vector<16xf32>,
    %swap3A_32 = arith.constant 208 : index
    %swap3A_33 = tpu.vector_load %arg8[%swap3A_32] {strides = array<i32>} : memref<512xf32, #tpu.memory_space<vmem>>, vector<16xf32>,
    tpu.vector_store %arg8[%swap3A_32], %broadcast_in_dim3A_6 {strides = array<i32>} : memref<512xf32, #tpu.memory_space<vmem>>, vector<16xf32>,
    %swap3A_34 = arith.constant 224 : index
    %swap3A_35 = tpu.vector_load %arg8[%swap3A_34] {strides = array<i32>} : memref<512xf32, #tpu.memory_space<vmem>>, vector<16xf32>,
    tpu.vector_store %arg8[%swap3A_34], %broadcast_in_dim3A_6 {strides = array<i32>} : memref<512xf32, #tpu.memory_space<vmem>>, vector<16xf32>,
    %swap3A_36 = arith.constant 240 : index
    %swap3A_37 = tpu.vector_load %arg8[%swap3A_36] {strides = array<i32>} : memref<512xf32, #tpu.memory_space<vmem>>, vector<16xf32>,
    tpu.vector_store %arg8[%swap3A_36], %broadcast_in_dim3A_6 {strides = array<i32>} : memref<512xf32, #tpu.memory_space<vmem>>, vector<16xf32>,
    %get3A_38 = arith.constant 0 : index
    %get3A_39 = tpu.vector_load %arg6[%get3A_38] {strides = array<i32>} : memref<240xf32, #tpu.memory_space<vmem>>, vector<16xf32>,
    %reduce_max3A = arith.constant true
    %reduce_max3A_40 = vector.broadcast %reduce_max3A : i1 to vector<16xi1>
    %reduce_max3A_41 = tpu.scan <max>, %get3A_39 masked %reduce_max3A_40 : vector<16xf32>, vector<16xi1> -> vector<16xf32>
    %reduce_max3A_42 = vector.extract %reduce_max3A_41[15] : f32 from vector<16xf32>
    %broadcast_in_dim3A_43 = vector.broadcast %reduce_max3A_42 : f32 to vector<16xf32>
    %sub3A = arith.subf %get3A_39, %broadcast_in_dim3A_43 : vector<16xf32>
    %exp3A_44 = math.exp %sub3A : vector<16xf32>
    %reduce_sum3A = arith.constant true
    %reduce_sum3A_45 = vector.broadcast %reduce_sum3A : i1 to vector<16xi1>
    %reduce_sum3A_46 = tpu.scan <sum>, %exp3A_44 masked %reduce_sum3A_45 : vector<16xf32>, vector<16xi1> -> vector<16xf32>
    %reduce_sum3A_47 = vector.extract %reduce_sum3A_46[15] : f32 from vector<16xf32>
    %broadcast_in_dim3A_48 = vector.broadcast %reduce_sum3A_47 : f32 to vector<16xf32>
    %div3A_49 = arith.divf %exp3A_44, %broadcast_in_dim3A_48 : vector<16xf32>
    %broadcast_in_dim3A_50 = arith.constant true
    %broadcast_in_dim3A_51 = vector.broadcast %broadcast_in_dim3A_50 : i1 to vector<16xi1>
    %masked_cumsum3A = tpu.scan <sum>, %div3A_49 masked %broadcast_in_dim3A_51 : vector<16xf32>, vector<16xi1> -> vector<16xf32>
    %add3A = arith.addf %masked_cumsum3A, %broadcast_in_dim3A_6 : vector<16xf32>
    %add3A_52 = arith.constant 241 : i32
    %add3A_53 = vector.broadcast %add3A_52 : i32 to vector<16xi32>
    %add3A_54 = arith.addi %iota3A, %add3A_53 : vector<16xi32>
    %mul3A = arith.mulf %add3A, %div3A_5 : vector<16xf32>
    tpu.vector_store_idx %arg8[%add3A_54], %mul3A : memref<512xf32, #tpu.memory_space<vmem>>[vector<16xi32>], vector<16xf32>,
    %reduce_max3A_55 = arith.constant true
    %reduce_max3A_56 = vector.broadcast %reduce_max3A_55 : i1 to vector<16xi1>
    %reduce_max3A_57 = tpu.scan <max>, %add3A masked %reduce_max3A_56 : vector<16xf32>, vector<16xi1> -> vector<16xf32>
    %reduce_max3A_58 = vector.extract %reduce_max3A_57[15] : f32 from vector<16xf32>
    %broadcast_in_dim3A_59 = vector.broadcast %reduce_max3A_58 : f32 to vector<16xf32>
    %get3A_60 = arith.constant 16 : index
    %get3A_61 = tpu.vector_load %arg6[%get3A_60] {strides = array<i32>} : memref<240xf32, #tpu.memory_space<vmem>>, vector<16xf32>,
    %reduce_max3A_62 = arith.constant true
    %reduce_max3A_63 = vector.broadcast %reduce_max3A_62 : i1 to vector<16xi1>
    %reduce_max3A_64 = tpu.scan <max>, %get3A_61 masked %reduce_max3A_63 : vector<16xf32>, vector<16xi1> -> vector<16xf32>
    %reduce_max3A_65 = vector.extract %reduce_max3A_64[15] : f32 from vector<16xf32>
    %broadcast_in_dim3A_66 = vector.broadcast %reduce_max3A_65 : f32 to vector<16xf32>
    %sub3A_67 = arith.subf %get3A_61, %broadcast_in_dim3A_66 : vector<16xf32>
    %exp3A_68 = math.exp %sub3A_67 : vector<16xf32>
    %reduce_sum3A_69 = arith.constant true
    %reduce_sum3A_70 = vector.broadcast %reduce_sum3A_69 : i1 to vector<16xi1>
    %reduce_sum3A_71 = tpu.scan <sum>, %exp3A_68 masked %reduce_sum3A_70 : vector<16xf32>, vector<16xi1> -> vector<16xf32>
    %reduce_sum3A_72 = vector.extract %reduce_sum3A_71[15] : f32 from vector<16xf32>
    %broadcast_in_dim3A_73 = vector.broadcast %reduce_sum3A_72 : f32 to vector<16xf32>
    %div3A_74 = arith.divf %exp3A_68, %broadcast_in_dim3A_73 : vector<16xf32>
    %broadcast_in_dim3A_75 = arith.constant true
    %broadcast_in_dim3A_76 = vector.broadcast %broadcast_in_dim3A_75 : i1 to vector<16xi1>
    %masked_cumsum3A_77 = tpu.scan <sum>, %div3A_74 masked %broadcast_in_dim3A_76 : vector<16xf32>, vector<16xi1> -> vector<16xf32>
    %add3A_78 = arith.addf %masked_cumsum3A_77, %broadcast_in_dim3A_59 : vector<16xf32>
    %add3A_79 = arith.constant 257 : i32
    %add3A_80 = vector.broadcast %add3A_79 : i32 to vector<16xi32>
    %add3A_81 = arith.addi %iota3A, %add3A_80 : vector<16xi32>
    %mul3A_82 = arith.mulf %add3A_78, %div3A_5 : vector<16xf32>
    tpu.vector_store_idx %arg8[%add3A_81], %mul3A_82 : memref<512xf32, #tpu.memory_space<vmem>>[vector<16xi32>], vector<16xf32>,
    %reduce_max3A_83 = arith.constant true
    %reduce_max3A_84 = vector.broadcast %reduce_max3A_83 : i1 to vector<16xi1>
    %reduce_max3A_85 = tpu.scan <max>, %add3A_78 masked %reduce_max3A_84 : vector<16xf32>, vector<16xi1> -> vector<16xf32>
    %reduce_max3A_86 = vector.extract %reduce_max3A_85[15] : f32 from vector<16xf32>
    %broadcast_in_dim3A_87 = vector.broadcast %reduce_max3A_86 : f32 to vector<16xf32>
    %get3A_88 = arith.constant 32 : index
    %get3A_89 = tpu.vector_load %arg6[%get3A_88] {strides = array<i32>} : memref<240xf32, #tpu.memory_space<vmem>>, vector<16xf32>,
    %reduce_max3A_90 = arith.constant true
    %reduce_max3A_91 = vector.broadcast %reduce_max3A_90 : i1 to vector<16xi1>
    %reduce_max3A_92 = tpu.scan <max>, %get3A_89 masked %reduce_max3A_91 : vector<16xf32>, vector<16xi1> -> vector<16xf32>
    %reduce_max3A_93 = vector.extract %reduce_max3A_92[15] : f32 from vector<16xf32>
    %broadcast_in_dim3A_94 = vector.broadcast %reduce_max3A_93 : f32 to vector<16xf32>
    %sub3A_95 = arith.subf %get3A_89, %broadcast_in_dim3A_94 : vector<16xf32>
    %exp3A_96 = math.exp %sub3A_95 : vector<16xf32>
    %reduce_sum3A_97 = arith.constant true
    %reduce_sum3A_98 = vector.broadcast %reduce_sum3A_97 : i1 to vector<16xi1>
    %reduce_sum3A_99 = tpu.scan <sum>, %exp3A_96 masked %reduce_sum3A_98 : vector<16xf32>, vector<16xi1> -> vector<16xf32>
    %reduce_sum3A_100 = vector.extract %reduce_sum3A_99[15] : f32 from vector<16xf32>
    %broadcast_in_dim3A_101 = vector.broadcast %reduce_sum3A_100 : f32 to vector<16xf32>
    %div3A_102 = arith.divf %exp3A_96, %broadcast_in_dim3A_101 : vector<16xf32>
    %broadcast_in_dim3A_103 = arith.constant true
    %broadcast_in_dim3A_104 = vector.broadcast %broadcast_in_dim3A_103 : i1 to vector<16xi1>
    %masked_cumsum3A_105 = tpu.scan <sum>, %div3A_102 masked %broadcast_in_dim3A_104 : vector<16xf32>, vector<16xi1> -> vector<16xf32>
    %add3A_106 = arith.addf %masked_cumsum3A_105, %broadcast_in_dim3A_87 : vector<16xf32>
    %add3A_107 = arith.constant 273 : i32
    %add3A_108 = vector.broadcast %add3A_107 : i32 to vector<16xi32>
    %add3A_109 = arith.addi %iota3A, %add3A_108 : vector<16xi32>
    %mul3A_110 = arith.mulf %add3A_106, %div3A_5 : vector<16xf32>
    tpu.vector_store_idx %arg8[%add3A_109], %mul3A_110 : memref<512xf32, #tpu.memory_space<vmem>>[vector<16xi32>], vector<16xf32>,
    %reduce_max3A_111 = arith.constant true
    %reduce_max3A_112 = vector.broadcast %reduce_max3A_111 : i1 to vector<16xi1>
    %reduce_max3A_113 = tpu.scan <max>, %add3A_106 masked %reduce_max3A_112 : vector<16xf32>, vector<16xi1> -> vector<16xf32>
    %reduce_max3A_114 = vector.extract %reduce_max3A_113[15] : f32 from vector<16xf32>
    %broadcast_in_dim3A_115 = vector.broadcast %reduce_max3A_114 : f32 to vector<16xf32>
    %get3A_116 = arith.constant 48 : index
    %get3A_117 = tpu.vector_load %arg6[%get3A_116] {strides = array<i32>} : memref<240xf32, #tpu.memory_space<vmem>>, vector<16xf32>,
    %reduce_max3A_118 = arith.constant true
    %reduce_max3A_119 = vector.broadcast %reduce_max3A_118 : i1 to vector<16xi1>
    %reduce_max3A_120 = tpu.scan <max>, %get3A_117 masked %reduce_max3A_119 : vector<16xf32>, vector<16xi1> -> vector<16xf32>
    %reduce_max3A_121 = vector.extract %reduce_max3A_120[15] : f32 from vector<16xf32>
    %broadcast_in_dim3A_122 = vector.broadcast %reduce_max3A_121 : f32 to vector<16xf32>
    %sub3A_123 = arith.subf %get3A_117, %broadcast_in_dim3A_122 : vector<16xf32>
    %exp3A_124 = math.exp %sub3A_123 : vector<16xf32>
    %reduce_sum3A_125 = arith.constant true
    %reduce_sum3A_126 = vector.broadcast %reduce_sum3A_125 : i1 to vector<16xi1>
    %reduce_sum3A_127 = tpu.scan <sum>, %exp3A_124 masked %reduce_sum3A_126 : vector<16xf32>, vector<16xi1> -> vector<16xf32>
    %reduce_sum3A_128 = vector.extract %reduce_sum3A_127[15] : f32 from vector<16xf32>
    %broadcast_in_dim3A_129 = vector.broadcast %reduce_sum3A_128 : f32 to vector<16xf32>
    %div3A_130 = arith.divf %exp3A_124, %broadcast_in_dim3A_129 : vector<16xf32>
    %broadcast_in_dim3A_131 = arith.constant true
    %broadcast_in_dim3A_132 = vector.broadcast %broadcast_in_dim3A_131 : i1 to vector<16xi1>
    %masked_cumsum3A_133 = tpu.scan <sum>, %div3A_130 masked %broadcast_in_dim3A_132 : vector<16xf32>, vector<16xi1> -> vector<16xf32>
    %add3A_134 = arith.addf %masked_cumsum3A_133, %broadcast_in_dim3A_115 : vector<16xf32>
    %add3A_135 = arith.constant 289 : i32
    %add3A_136 = vector.broadcast %add3A_135 : i32 to vector<16xi32>
    %add3A_137 = arith.addi %iota3A, %add3A_136 : vector<16xi32>
    %mul3A_138 = arith.mulf %add3A_134, %div3A_5 : vector<16xf32>
    tpu.vector_store_idx %arg8[%add3A_137], %mul3A_138 : memref<512xf32, #tpu.memory_space<vmem>>[vector<16xi32>], vector<16xf32>,
    %reduce_max3A_139 = arith.constant true
    %reduce_max3A_140 = vector.broadcast %reduce_max3A_139 : i1 to vector<16xi1>
    %reduce_max3A_141 = tpu.scan <max>, %add3A_134 masked %reduce_max3A_140 : vector<16xf32>, vector<16xi1> -> vector<16xf32>
    %reduce_max3A_142 = vector.extract %reduce_max3A_141[15] : f32 from vector<16xf32>
    %broadcast_in_dim3A_143 = vector.broadcast %reduce_max3A_142 : f32 to vector<16xf32>
    %get3A_144 = arith.constant 64 : index
    %get3A_145 = tpu.vector_load %arg6[%get3A_144] {strides = array<i32>} : memref<240xf32, #tpu.memory_space<vmem>>, vector<16xf32>,
    %reduce_max3A_146 = arith.constant true
    %reduce_max3A_147 = vector.broadcast %reduce_max3A_146 : i1 to vector<16xi1>
    %reduce_max3A_148 = tpu.scan <max>, %get3A_145 masked %reduce_max3A_147 : vector<16xf32>, vector<16xi1> -> vector<16xf32>
    %reduce_max3A_149 = vector.extract %reduce_max3A_148[15] : f32 from vector<16xf32>
    %broadcast_in_dim3A_150 = vector.broadcast %reduce_max3A_149 : f32 to vector<16xf32>
    %sub3A_151 = arith.subf %get3A_145, %broadcast_in_dim3A_150 : vector<16xf32>
    %exp3A_152 = math.exp %sub3A_151 : vector<16xf32>
    %reduce_sum3A_153 = arith.constant true
    %reduce_sum3A_154 = vector.broadcast %reduce_sum3A_153 : i1 to vector<16xi1>
    %reduce_sum3A_155 = tpu.scan <sum>, %exp3A_152 masked %reduce_sum3A_154 : vector<16xf32>, vector<16xi1> -> vector<16xf32>
    %reduce_sum3A_156 = vector.extract %reduce_sum3A_155[15] : f32 from vector<16xf32>
    %broadcast_in_dim3A_157 = vector.broadcast %reduce_sum3A_156 : f32 to vector<16xf32>
    %div3A_158 = arith.divf %exp3A_152, %broadcast_in_dim3A_157 : vector<16xf32>
    %broadcast_in_dim3A_159 = arith.constant true
    %broadcast_in_dim3A_160 = vector.broadcast %broadcast_in_dim3A_159 : i1 to vector<16xi1>
    %masked_cumsum3A_161 = tpu.scan <sum>, %div3A_158 masked %broadcast_in_dim3A_160 : vector<16xf32>, vector<16xi1> -> vector<16xf32>
    %add3A_162 = arith.addf %masked_cumsum3A_161, %broadcast_in_dim3A_143 : vector<16xf32>
    %add3A_163 = arith.constant 305 : i32
    %add3A_164 = vector.broadcast %add3A_163 : i32 to vector<16xi32>
    %add3A_165 = arith.addi %iota3A, %add3A_164 : vector<16xi32>
    %mul3A_166 = arith.mulf %add3A_162, %div3A_5 : vector<16xf32>
    tpu.vector_store_idx %arg8[%add3A_165], %mul3A_166 : memref<512xf32, #tpu.memory_space<vmem>>[vector<16xi32>], vector<16xf32>,
    %reduce_max3A_167 = arith.constant true
    %reduce_max3A_168 = vector.broadcast %reduce_max3A_167 : i1 to vector<16xi1>
    %reduce_max3A_169 = tpu.scan <max>, %add3A_162 masked %reduce_max3A_168 : vector<16xf32>, vector<16xi1> -> vector<16xf32>
    %reduce_max3A_170 = vector.extract %reduce_max3A_169[15] : f32 from vector<16xf32>
    %broadcast_in_dim3A_171 = vector.broadcast %reduce_max3A_170 : f32 to vector<16xf32>
    %get3A_172 = arith.constant 80 : index
    %get3A_173 = tpu.vector_load %arg6[%get3A_172] {strides = array<i32>} : memref<240xf32, #tpu.memory_space<vmem>>, vector<16xf32>,
    %reduce_max3A_174 = arith.constant true
    %reduce_max3A_175 = vector.broadcast %reduce_max3A_174 : i1 to vector<16xi1>
    %reduce_max3A_176 = tpu.scan <max>, %get3A_173 masked %reduce_max3A_175 : vector<16xf32>, vector<16xi1> -> vector<16xf32>
    %reduce_max3A_177 = vector.extract %reduce_max3A_176[15] : f32 from vector<16xf32>
    %broadcast_in_dim3A_178 = vector.broadcast %reduce_max3A_177 : f32 to vector<16xf32>
    %sub3A_179 = arith.subf %get3A_173, %broadcast_in_dim3A_178 : vector<16xf32>
    %exp3A_180 = math.exp %sub3A_179 : vector<16xf32>
    %reduce_sum3A_181 = arith.constant true
    %reduce_sum3A_182 = vector.broadcast %reduce_sum3A_181 : i1 to vector<16xi1>
    %reduce_sum3A_183 = tpu.scan <sum>, %exp3A_180 masked %reduce_sum3A_182 : vector<16xf32>, vector<16xi1> -> vector<16xf32>
    %reduce_sum3A_184 = vector.extract %reduce_sum3A_183[15] : f32 from vector<16xf32>
    %broadcast_in_dim3A_185 = vector.broadcast %reduce_sum3A_184 : f32 to vector<16xf32>
    %div3A_186 = arith.divf %exp3A_180, %broadcast_in_dim3A_185 : vector<16xf32>
    %broadcast_in_dim3A_187 = arith.constant true
    %broadcast_in_dim3A_188 = vector.broadcast %broadcast_in_dim3A_187 : i1 to vector<16xi1>
    %masked_cumsum3A_189 = tpu.scan <sum>, %div3A_186 masked %broadcast_in_dim3A_188 : vector<16xf32>, vector<16xi1> -> vector<16xf32>
    %add3A_190 = arith.addf %masked_cumsum3A_189, %broadcast_in_dim3A_171 : vector<16xf32>
    %add3A_191 = arith.constant 321 : i32
    %add3A_192 = vector.broadcast %add3A_191 : i32 to vector<16xi32>
    %add3A_193 = arith.addi %iota3A, %add3A_192 : vector<16xi32>
    %mul3A_194 = arith.mulf %add3A_190, %div3A_5 : vector<16xf32>
    tpu.vector_store_idx %arg8[%add3A_193], %mul3A_194 : memref<512xf32, #tpu.memory_space<vmem>>[vector<16xi32>], vector<16xf32>,
    %reduce_max3A_195 = arith.constant true
    %reduce_max3A_196 = vector.broadcast %reduce_max3A_195 : i1 to vector<16xi1>
    %reduce_max3A_197 = tpu.scan <max>, %add3A_190 masked %reduce_max3A_196 : vector<16xf32>, vector<16xi1> -> vector<16xf32>
    %reduce_max3A_198 = vector.extract %reduce_max3A_197[15] : f32 from vector<16xf32>
    %broadcast_in_dim3A_199 = vector.broadcast %reduce_max3A_198 : f32 to vector<16xf32>
    %get3A_200 = arith.constant 96 : index
    %get3A_201 = tpu.vector_load %arg6[%get3A_200] {strides = array<i32>} : memref<240xf32, #tpu.memory_space<vmem>>, vector<16xf32>,
    %reduce_max3A_202 = arith.constant true
    %reduce_max3A_203 = vector.broadcast %reduce_max3A_202 : i1 to vector<16xi1>
    %reduce_max3A_204 = tpu.scan <max>, %get3A_201 masked %reduce_max3A_203 : vector<16xf32>, vector<16xi1> -> vector<16xf32>
    %reduce_max3A_205 = vector.extract %reduce_max3A_204[15] : f32 from vector<16xf32>
    %broadcast_in_dim3A_206 = vector.broadcast %reduce_max3A_205 : f32 to vector<16xf32>
    %sub3A_207 = arith.subf %get3A_201, %broadcast_in_dim3A_206 : vector<16xf32>
    %exp3A_208 = math.exp %sub3A_207 : vector<16xf32>
    %reduce_sum3A_209 = arith.constant true
    %reduce_sum3A_210 = vector.broadcast %reduce_sum3A_209 : i1 to vector<16xi1>
    %reduce_sum3A_211 = tpu.scan <sum>, %exp3A_208 masked %reduce_sum3A_210 : vector<16xf32>, vector<16xi1> -> vector<16xf32>
    %reduce_sum3A_212 = vector.extract %reduce_sum3A_211[15] : f32 from vector<16xf32>
    %broadcast_in_dim3A_213 = vector.broadcast %reduce_sum3A_212 : f32 to vector<16xf32>
    %div3A_214 = arith.divf %exp3A_208, %broadcast_in_dim3A_213 : vector<16xf32>
    %broadcast_in_dim3A_215 = arith.constant true
    %broadcast_in_dim3A_216 = vector.broadcast %broadcast_in_dim3A_215 : i1 to vector<16xi1>
    %masked_cumsum3A_217 = tpu.scan <sum>, %div3A_214 masked %broadcast_in_dim3A_216 : vector<16xf32>, vector<16xi1> -> vector<16xf32>
    %add3A_218 = arith.addf %masked_cumsum3A_217, %broadcast_in_dim3A_199 : vector<16xf32>
    %add3A_219 = arith.constant 337 : i32
    %add3A_220 = vector.broadcast %add3A_219 : i32 to vector<16xi32>
    %add3A_221 = arith.addi %iota3A, %add3A_220 : vector<16xi32>
    %mul3A_222 = arith.mulf %add3A_218, %div3A_5 : vector<16xf32>
    tpu.vector_store_idx %arg8[%add3A_221], %mul3A_222 : memref<512xf32, #tpu.memory_space<vmem>>[vector<16xi32>], vector<16xf32>,
    %reduce_max3A_223 = arith.constant true
    %reduce_max3A_224 = vector.broadcast %reduce_max3A_223 : i1 to vector<16xi1>
    %reduce_max3A_225 = tpu.scan <max>, %add3A_218 masked %reduce_max3A_224 : vector<16xf32>, vector<16xi1> -> vector<16xf32>
    %reduce_max3A_226 = vector.extract %reduce_max3A_225[15] : f32 from vector<16xf32>
    %broadcast_in_dim3A_227 = vector.broadcast %reduce_max3A_226 : f32 to vector<16xf32>
    %get3A_228 = arith.constant 112 : index
    %get3A_229 = tpu.vector_load %arg6[%get3A_228] {strides = array<i32>} : memref<240xf32, #tpu.memory_space<vmem>>, vector<16xf32>,
    %reduce_max3A_230 = arith.constant true
    %reduce_max3A_231 = vector.broadcast %reduce_max3A_230 : i1 to vector<16xi1>
    %reduce_max3A_232 = tpu.scan <max>, %get3A_229 masked %reduce_max3A_231 : vector<16xf32>, vector<16xi1> -> vector<16xf32>
    %reduce_max3A_233 = vector.extract %reduce_max3A_232[15] : f32 from vector<16xf32>
    %broadcast_in_dim3A_234 = vector.broadcast %reduce_max3A_233 : f32 to vector<16xf32>
    %sub3A_235 = arith.subf %get3A_229, %broadcast_in_dim3A_234 : vector<16xf32>
    %exp3A_236 = math.exp %sub3A_235 : vector<16xf32>
    %reduce_sum3A_237 = arith.constant true
    %reduce_sum3A_238 = vector.broadcast %reduce_sum3A_237 : i1 to vector<16xi1>
    %reduce_sum3A_239 = tpu.scan <sum>, %exp3A_236 masked %reduce_sum3A_238 : vector<16xf32>, vector<16xi1> -> vector<16xf32>
    %reduce_sum3A_240 = vector.extract %reduce_sum3A_239[15] : f32 from vector<16xf32>
    %broadcast_in_dim3A_241 = vector.broadcast %reduce_sum3A_240 : f32 to vector<16xf32>
    %div3A_242 = arith.divf %exp3A_236, %broadcast_in_dim3A_241 : vector<16xf32>
    %broadcast_in_dim3A_243 = arith.constant true
    %broadcast_in_dim3A_244 = vector.broadcast %broadcast_in_dim3A_243 : i1 to vector<16xi1>
    %masked_cumsum3A_245 = tpu.scan <sum>, %div3A_242 masked %broadcast_in_dim3A_244 : vector<16xf32>, vector<16xi1> -> vector<16xf32>
    %add3A_246 = arith.addf %masked_cumsum3A_245, %broadcast_in_dim3A_227 : vector<16xf32>
    %add3A_247 = arith.constant 353 : i32
    %add3A_248 = vector.broadcast %add3A_247 : i32 to vector<16xi32>
    %add3A_249 = arith.addi %iota3A, %add3A_248 : vector<16xi32>
    %mul3A_250 = arith.mulf %add3A_246, %div3A_5 : vector<16xf32>
    tpu.vector_store_idx %arg8[%add3A_249], %mul3A_250 : memref<512xf32, #tpu.memory_space<vmem>>[vector<16xi32>], vector<16xf32>,
    %reduce_max3A_251 = arith.constant true
    %reduce_max3A_252 = vector.broadcast %reduce_max3A_251 : i1 to vector<16xi1>
    %reduce_max3A_253 = tpu.scan <max>, %add3A_246 masked %reduce_max3A_252 : vector<16xf32>, vector<16xi1> -> vector<16xf32>
    %reduce_max3A_254 = vector.extract %reduce_max3A_253[15] : f32 from vector<16xf32>
    %broadcast_in_dim3A_255 = vector.broadcast %reduce_max3A_254 : f32 to vector<16xf32>
    %get3A_256 = arith.constant 128 : index
    %get3A_257 = tpu.vector_load %arg6[%get3A_256] {strides = array<i32>} : memref<240xf32, #tpu.memory_space<vmem>>, vector<16xf32>,
    %reduce_max3A_258 = arith.constant true
    %reduce_max3A_259 = vector.broadcast %reduce_max3A_258 : i1 to vector<16xi1>
    %reduce_max3A_260 = tpu.scan <max>, %get3A_257 masked %reduce_max3A_259 : vector<16xf32>, vector<16xi1> -> vector<16xf32>
    %reduce_max3A_261 = vector.extract %reduce_max3A_260[15] : f32 from vector<16xf32>
    %broadcast_in_dim3A_262 = vector.broadcast %reduce_max3A_261 : f32 to vector<16xf32>
    %sub3A_263 = arith.subf %get3A_257, %broadcast_in_dim3A_262 : vector<16xf32>
    %exp3A_264 = math.exp %sub3A_263 : vector<16xf32>
    %reduce_sum3A_265 = arith.constant true
    %reduce_sum3A_266 = vector.broadcast %reduce_sum3A_265 : i1 to vector<16xi1>
    %reduce_sum3A_267 = tpu.scan <sum>, %exp3A_264 masked %reduce_sum3A_266 : vector<16xf32>, vector<16xi1> -> vector<16xf32>
    %reduce_sum3A_268 = vector.extract %reduce_sum3A_267[15] : f32 from vector<16xf32>
    %broadcast_in_dim3A_269 = vector.broadcast %reduce_sum3A_268 : f32 to vector<16xf32>
    %div3A_270 = arith.divf %exp3A_264, %broadcast_in_dim3A_269 : vector<16xf32>
    %broadcast_in_dim3A_271 = arith.constant true
    %broadcast_in_dim3A_272 = vector.broadcast %broadcast_in_dim3A_271 : i1 to vector<16xi1>
    %masked_cumsum3A_273 = tpu.scan <sum>, %div3A_270 masked %broadcast_in_dim3A_272 : vector<16xf32>, vector<16xi1> -> vector<16xf32>
    %add3A_274 = arith.addf %masked_cumsum3A_273, %broadcast_in_dim3A_255 : vector<16xf32>
    %add3A_275 = arith.constant 369 : i32
    %add3A_276 = vector.broadcast %add3A_275 : i32 to vector<16xi32>
    %add3A_277 = arith.addi %iota3A, %add3A_276 : vector<16xi32>
    %mul3A_278 = arith.mulf %add3A_274, %div3A_5 : vector<16xf32>
    tpu.vector_store_idx %arg8[%add3A_277], %mul3A_278 : memref<512xf32, #tpu.memory_space<vmem>>[vector<16xi32>], vector<16xf32>,
    %reduce_max3A_279 = arith.constant true
    %reduce_max3A_280 = vector.broadcast %reduce_max3A_279 : i1 to vector<16xi1>
    %reduce_max3A_281 = tpu.scan <max>, %add3A_274 masked %reduce_max3A_280 : vector<16xf32>, vector<16xi1> -> vector<16xf32>
    %reduce_max3A_282 = vector.extract %reduce_max3A_281[15] : f32 from vector<16xf32>
    %broadcast_in_dim3A_283 = vector.broadcast %reduce_max3A_282 : f32 to vector<16xf32>
    %get3A_284 = arith.constant 144 : index
    %get3A_285 = tpu.vector_load %arg6[%get3A_284] {strides = array<i32>} : memref<240xf32, #tpu.memory_space<vmem>>, vector<16xf32>,
    %reduce_max3A_286 = arith.constant true
    %reduce_max3A_287 = vector.broadcast %reduce_max3A_286 : i1 to vector<16xi1>
    %reduce_max3A_288 = tpu.scan <max>, %get3A_285 masked %reduce_max3A_287 : vector<16xf32>, vector<16xi1> -> vector<16xf32>
    %reduce_max3A_289 = vector.extract %reduce_max3A_288[15] : f32 from vector<16xf32>
    %broadcast_in_dim3A_290 = vector.broadcast %reduce_max3A_289 : f32 to vector<16xf32>
    %sub3A_291 = arith.subf %get3A_285, %broadcast_in_dim3A_290 : vector<16xf32>
    %exp3A_292 = math.exp %sub3A_291 : vector<16xf32>
    %reduce_sum3A_293 = arith.constant true
    %reduce_sum3A_294 = vector.broadcast %reduce_sum3A_293 : i1 to vector<16xi1>
    %reduce_sum3A_295 = tpu.scan <sum>, %exp3A_292 masked %reduce_sum3A_294 : vector<16xf32>, vector<16xi1> -> vector<16xf32>
    %reduce_sum3A_296 = vector.extract %reduce_sum3A_295[15] : f32 from vector<16xf32>
    %broadcast_in_dim3A_297 = vector.broadcast %reduce_sum3A_296 : f32 to vector<16xf32>
    %div3A_298 = arith.divf %exp3A_292, %broadcast_in_dim3A_297 : vector<16xf32>
    %broadcast_in_dim3A_299 = arith.constant true
    %broadcast_in_dim3A_300 = vector.broadcast %broadcast_in_dim3A_299 : i1 to vector<16xi1>
    %masked_cumsum3A_301 = tpu.scan <sum>, %div3A_298 masked %broadcast_in_dim3A_300 : vector<16xf32>, vector<16xi1> -> vector<16xf32>
    %add3A_302 = arith.addf %masked_cumsum3A_301, %broadcast_in_dim3A_283 : vector<16xf32>
    %add3A_303 = arith.constant 385 : i32
    %add3A_304 = vector.broadcast %add3A_303 : i32 to vector<16xi32>
    %add3A_305 = arith.addi %iota3A, %add3A_304 : vector<16xi32>
    %mul3A_306 = arith.mulf %add3A_302, %div3A_5 : vector<16xf32>
    tpu.vector_store_idx %arg8[%add3A_305], %mul3A_306 : memref<512xf32, #tpu.memory_space<vmem>>[vector<16xi32>], vector<16xf32>,
    %reduce_max3A_307 = arith.constant true
    %reduce_max3A_308 = vector.broadcast %reduce_max3A_307 : i1 to vector<16xi1>
    %reduce_max3A_309 = tpu.scan <max>, %add3A_302 masked %reduce_max3A_308 : vector<16xf32>, vector<16xi1> -> vector<16xf32>
    %reduce_max3A_310 = vector.extract %reduce_max3A_309[15] : f32 from vector<16xf32>
    %broadcast_in_dim3A_311 = vector.broadcast %reduce_max3A_310 : f32 to vector<16xf32>
    %get3A_312 = arith.constant 160 : index
    %get3A_313 = tpu.vector_load %arg6[%get3A_312] {strides = array<i32>} : memref<240xf32, #tpu.memory_space<vmem>>, vector<16xf32>,
    %reduce_max3A_314 = arith.constant true
    %reduce_max3A_315 = vector.broadcast %reduce_max3A_314 : i1 to vector<16xi1>
    %reduce_max3A_316 = tpu.scan <max>, %get3A_313 masked %reduce_max3A_315 : vector<16xf32>, vector<16xi1> -> vector<16xf32>
    %reduce_max3A_317 = vector.extract %reduce_max3A_316[15] : f32 from vector<16xf32>
    %broadcast_in_dim3A_318 = vector.broadcast %reduce_max3A_317 : f32 to vector<16xf32>
    %sub3A_319 = arith.subf %get3A_313, %broadcast_in_dim3A_318 : vector<16xf32>
    %exp3A_320 = math.exp %sub3A_319 : vector<16xf32>
    %reduce_sum3A_321 = arith.constant true
    %reduce_sum3A_322 = vector.broadcast %reduce_sum3A_321 : i1 to vector<16xi1>
    %reduce_sum3A_323 = tpu.scan <sum>, %exp3A_320 masked %reduce_sum3A_322 : vector<16xf32>, vector<16xi1> -> vector<16xf32>
    %reduce_sum3A_324 = vector.extract %reduce_sum3A_323[15] : f32 from vector<16xf32>
    %broadcast_in_dim3A_325 = vector.broadcast %reduce_sum3A_324 : f32 to vector<16xf32>
    %div3A_326 = arith.divf %exp3A_320, %broadcast_in_dim3A_325 : vector<16xf32>
    %broadcast_in_dim3A_327 = arith.constant true
    %broadcast_in_dim3A_328 = vector.broadcast %broadcast_in_dim3A_327 : i1 to vector<16xi1>
    %masked_cumsum3A_329 = tpu.scan <sum>, %div3A_326 masked %broadcast_in_dim3A_328 : vector<16xf32>, vector<16xi1> -> vector<16xf32>
    %add3A_330 = arith.addf %masked_cumsum3A_329, %broadcast_in_dim3A_311 : vector<16xf32>
    %add3A_331 = arith.constant 401 : i32
    %add3A_332 = vector.broadcast %add3A_331 : i32 to vector<16xi32>
    %add3A_333 = arith.addi %iota3A, %add3A_332 : vector<16xi32>
    %mul3A_334 = arith.mulf %add3A_330, %div3A_5 : vector<16xf32>
    tpu.vector_store_idx %arg8[%add3A_333], %mul3A_334 : memref<512xf32, #tpu.memory_space<vmem>>[vector<16xi32>], vector<16xf32>,
    %reduce_max3A_335 = arith.constant true
    %reduce_max3A_336 = vector.broadcast %reduce_max3A_335 : i1 to vector<16xi1>
    %reduce_max3A_337 = tpu.scan <max>, %add3A_330 masked %reduce_max3A_336 : vector<16xf32>, vector<16xi1> -> vector<16xf32>
    %reduce_max3A_338 = vector.extract %reduce_max3A_337[15] : f32 from vector<16xf32>
    %broadcast_in_dim3A_339 = vector.broadcast %reduce_max3A_338 : f32 to vector<16xf32>
    %get3A_340 = arith.constant 176 : index
    %get3A_341 = tpu.vector_load %arg6[%get3A_340] {strides = array<i32>} : memref<240xf32, #tpu.memory_space<vmem>>, vector<16xf32>,
    %reduce_max3A_342 = arith.constant true
    %reduce_max3A_343 = vector.broadcast %reduce_max3A_342 : i1 to vector<16xi1>
    %reduce_max3A_344 = tpu.scan <max>, %get3A_341 masked %reduce_max3A_343 : vector<16xf32>, vector<16xi1> -> vector<16xf32>
    %reduce_max3A_345 = vector.extract %reduce_max3A_344[15] : f32 from vector<16xf32>
    %broadcast_in_dim3A_346 = vector.broadcast %reduce_max3A_345 : f32 to vector<16xf32>
    %sub3A_347 = arith.subf %get3A_341, %broadcast_in_dim3A_346 : vector<16xf32>
    %exp3A_348 = math.exp %sub3A_347 : vector<16xf32>
    %reduce_sum3A_349 = arith.constant true
    %reduce_sum3A_350 = vector.broadcast %reduce_sum3A_349 : i1 to vector<16xi1>
    %reduce_sum3A_351 = tpu.scan <sum>, %exp3A_348 masked %reduce_sum3A_350 : vector<16xf32>, vector<16xi1> -> vector<16xf32>
    %reduce_sum3A_352 = vector.extract %reduce_sum3A_351[15] : f32 from vector<16xf32>
    %broadcast_in_dim3A_353 = vector.broadcast %reduce_sum3A_352 : f32 to vector<16xf32>
    %div3A_354 = arith.divf %exp3A_348, %broadcast_in_dim3A_353 : vector<16xf32>
    %broadcast_in_dim3A_355 = arith.constant true
    %broadcast_in_dim3A_356 = vector.broadcast %broadcast_in_dim3A_355 : i1 to vector<16xi1>
    %masked_cumsum3A_357 = tpu.scan <sum>, %div3A_354 masked %broadcast_in_dim3A_356 : vector<16xf32>, vector<16xi1> -> vector<16xf32>
    %add3A_358 = arith.addf %masked_cumsum3A_357, %broadcast_in_dim3A_339 : vector<16xf32>
    %add3A_359 = arith.constant 417 : i32
    %add3A_360 = vector.broadcast %add3A_359 : i32 to vector<16xi32>
    %add3A_361 = arith.addi %iota3A, %add3A_360 : vector<16xi32>
    %mul3A_362 = arith.mulf %add3A_358, %div3A_5 : vector<16xf32>
    tpu.vector_store_idx %arg8[%add3A_361], %mul3A_362 : memref<512xf32, #tpu.memory_space<vmem>>[vector<16xi32>], vector<16xf32>,
    %reduce_max3A_363 = arith.constant true
    %reduce_max3A_364 = vector.broadcast %reduce_max3A_363 : i1 to vector<16xi1>
    %reduce_max3A_365 = tpu.scan <max>, %add3A_358 masked %reduce_max3A_364 : vector<16xf32>, vector<16xi1> -> vector<16xf32>
    %reduce_max3A_366 = vector.extract %reduce_max3A_365[15] : f32 from vector<16xf32>
    %broadcast_in_dim3A_367 = vector.broadcast %reduce_max3A_366 : f32 to vector<16xf32>
    %get3A_368 = arith.constant 192 : index
    %get3A_369 = tpu.vector_load %arg6[%get3A_368] {strides = array<i32>} : memref<240xf32, #tpu.memory_space<vmem>>, vector<16xf32>,
    %reduce_max3A_370 = arith.constant true
    %reduce_max3A_371 = vector.broadcast %reduce_max3A_370 : i1 to vector<16xi1>
    %reduce_max3A_372 = tpu.scan <max>, %get3A_369 masked %reduce_max3A_371 : vector<16xf32>, vector<16xi1> -> vector<16xf32>
    %reduce_max3A_373 = vector.extract %reduce_max3A_372[15] : f32 from vector<16xf32>
    %broadcast_in_dim3A_374 = vector.broadcast %reduce_max3A_373 : f32 to vector<16xf32>
    %sub3A_375 = arith.subf %get3A_369, %broadcast_in_dim3A_374 : vector<16xf32>
    %exp3A_376 = math.exp %sub3A_375 : vector<16xf32>
    %reduce_sum3A_377 = arith.constant true
    %reduce_sum3A_378 = vector.broadcast %reduce_sum3A_377 : i1 to vector<16xi1>
    %reduce_sum3A_379 = tpu.scan <sum>, %exp3A_376 masked %reduce_sum3A_378 : vector<16xf32>, vector<16xi1> -> vector<16xf32>
    %reduce_sum3A_380 = vector.extract %reduce_sum3A_379[15] : f32 from vector<16xf32>
    %broadcast_in_dim3A_381 = vector.broadcast %reduce_sum3A_380 : f32 to vector<16xf32>
    %div3A_382 = arith.divf %exp3A_376, %broadcast_in_dim3A_381 : vector<16xf32>
    %broadcast_in_dim3A_383 = arith.constant true
    %broadcast_in_dim3A_384 = vector.broadcast %broadcast_in_dim3A_383 : i1 to vector<16xi1>
    %masked_cumsum3A_385 = tpu.scan <sum>, %div3A_382 masked %broadcast_in_dim3A_384 : vector<16xf32>, vector<16xi1> -> vector<16xf32>
    %add3A_386 = arith.addf %masked_cumsum3A_385, %broadcast_in_dim3A_367 : vector<16xf32>
    %add3A_387 = arith.constant 433 : i32
    %add3A_388 = vector.broadcast %add3A_387 : i32 to vector<16xi32>
    %add3A_389 = arith.addi %iota3A, %add3A_388 : vector<16xi32>
    %mul3A_390 = arith.mulf %add3A_386, %div3A_5 : vector<16xf32>
    tpu.vector_store_idx %arg8[%add3A_389], %mul3A_390 : memref<512xf32, #tpu.memory_space<vmem>>[vector<16xi32>], vector<16xf32>,
    %reduce_max3A_391 = arith.constant true
    %reduce_max3A_392 = vector.broadcast %reduce_max3A_391 : i1 to vector<16xi1>
    %reduce_max3A_393 = tpu.scan <max>, %add3A_386 masked %reduce_max3A_392 : vector<16xf32>, vector<16xi1> -> vector<16xf32>
    %reduce_max3A_394 = vector.extract %reduce_max3A_393[15] : f32 from vector<16xf32>
    %broadcast_in_dim3A_395 = vector.broadcast %reduce_max3A_394 : f32 to vector<16xf32>
    %get3A_396 = arith.constant 208 : index
    %get3A_397 = tpu.vector_load %arg6[%get3A_396] {strides = array<i32>} : memref<240xf32, #tpu.memory_space<vmem>>, vector<16xf32>,
    %reduce_max3A_398 = arith.constant true
    %reduce_max3A_399 = vector.broadcast %reduce_max3A_398 : i1 to vector<16xi1>
    %reduce_max3A_400 = tpu.scan <max>, %get3A_397 masked %reduce_max3A_399 : vector<16xf32>, vector<16xi1> -> vector<16xf32>
    %reduce_max3A_401 = vector.extract %reduce_max3A_400[15] : f32 from vector<16xf32>
    %broadcast_in_dim3A_402 = vector.broadcast %reduce_max3A_401 : f32 to vector<16xf32>
    %sub3A_403 = arith.subf %get3A_397, %broadcast_in_dim3A_402 : vector<16xf32>
    %exp3A_404 = math.exp %sub3A_403 : vector<16xf32>
    %reduce_sum3A_405 = arith.constant true
    %reduce_sum3A_406 = vector.broadcast %reduce_sum3A_405 : i1 to vector<16xi1>
    %reduce_sum3A_407 = tpu.scan <sum>, %exp3A_404 masked %reduce_sum3A_406 : vector<16xf32>, vector<16xi1> -> vector<16xf32>
    %reduce_sum3A_408 = vector.extract %reduce_sum3A_407[15] : f32 from vector<16xf32>
    %broadcast_in_dim3A_409 = vector.broadcast %reduce_sum3A_408 : f32 to vector<16xf32>
    %div3A_410 = arith.divf %exp3A_404, %broadcast_in_dim3A_409 : vector<16xf32>
    %broadcast_in_dim3A_411 = arith.constant true
    %broadcast_in_dim3A_412 = vector.broadcast %broadcast_in_dim3A_411 : i1 to vector<16xi1>
    %masked_cumsum3A_413 = tpu.scan <sum>, %div3A_410 masked %broadcast_in_dim3A_412 : vector<16xf32>, vector<16xi1> -> vector<16xf32>
    %add3A_414 = arith.addf %masked_cumsum3A_413, %broadcast_in_dim3A_395 : vector<16xf32>
    %add3A_415 = arith.constant 449 : i32
    %add3A_416 = vector.broadcast %add3A_415 : i32 to vector<16xi32>
    %add3A_417 = arith.addi %iota3A, %add3A_416 : vector<16xi32>
    %mul3A_418 = arith.mulf %add3A_414, %div3A_5 : vector<16xf32>
    tpu.vector_store_idx %arg8[%add3A_417], %mul3A_418 : memref<512xf32, #tpu.memory_space<vmem>>[vector<16xi32>], vector<16xf32>,
    %reduce_max3A_419 = arith.constant true
    %reduce_max3A_420 = vector.broadcast %reduce_max3A_419 : i1 to vector<16xi1>
    %reduce_max3A_421 = tpu.scan <max>, %add3A_414 masked %reduce_max3A_420 : vector<16xf32>, vector<16xi1> -> vector<16xf32>
    %reduce_max3A_422 = vector.extract %reduce_max3A_421[15] : f32 from vector<16xf32>
    %broadcast_in_dim3A_423 = vector.broadcast %reduce_max3A_422 : f32 to vector<16xf32>
    %get3A_424 = arith.constant 224 : index
    %get3A_425 = tpu.vector_load %arg6[%get3A_424] {strides = array<i32>} : memref<240xf32, #tpu.memory_space<vmem>>, vector<16xf32>,
    %reduce_max3A_426 = arith.constant true
    %reduce_max3A_427 = vector.broadcast %reduce_max3A_426 : i1 to vector<16xi1>
    %reduce_max3A_428 = tpu.scan <max>, %get3A_425 masked %reduce_max3A_427 : vector<16xf32>, vector<16xi1> -> vector<16xf32>
    %reduce_max3A_429 = vector.extract %reduce_max3A_428[15] : f32 from vector<16xf32>
    %broadcast_in_dim3A_430 = vector.broadcast %reduce_max3A_429 : f32 to vector<16xf32>
    %sub3A_431 = arith.subf %get3A_425, %broadcast_in_dim3A_430 : vector<16xf32>
    %exp3A_432 = math.exp %sub3A_431 : vector<16xf32>
    %reduce_sum3A_433 = arith.constant true
    %reduce_sum3A_434 = vector.broadcast %reduce_sum3A_433 : i1 to vector<16xi1>
    %reduce_sum3A_435 = tpu.scan <sum>, %exp3A_432 masked %reduce_sum3A_434 : vector<16xf32>, vector<16xi1> -> vector<16xf32>
    %reduce_sum3A_436 = vector.extract %reduce_sum3A_435[15] : f32 from vector<16xf32>
    %broadcast_in_dim3A_437 = vector.broadcast %reduce_sum3A_436 : f32 to vector<16xf32>
    %div3A_438 = arith.divf %exp3A_432, %broadcast_in_dim3A_437 : vector<16xf32>
    %broadcast_in_dim3A_439 = arith.constant true
    %broadcast_in_dim3A_440 = vector.broadcast %broadcast_in_dim3A_439 : i1 to vector<16xi1>
    %masked_cumsum3A_441 = tpu.scan <sum>, %div3A_438 masked %broadcast_in_dim3A_440 : vector<16xf32>, vector<16xi1> -> vector<16xf32>
    %add3A_442 = arith.addf %masked_cumsum3A_441, %broadcast_in_dim3A_423 : vector<16xf32>
    %add3A_443 = arith.constant 465 : i32
    %add3A_444 = vector.broadcast %add3A_443 : i32 to vector<16xi32>
    %add3A_445 = arith.addi %iota3A, %add3A_444 : vector<16xi32>
    %mul3A_446 = arith.mulf %add3A_442, %div3A_5 : vector<16xf32>
    tpu.vector_store_idx %arg8[%add3A_445], %mul3A_446 : memref<512xf32, #tpu.memory_space<vmem>>[vector<16xi32>], vector<16xf32>,
    %reduce_max3A_447 = arith.constant true
    %reduce_max3A_448 = vector.broadcast %reduce_max3A_447 : i1 to vector<16xi1>
    %reduce_max3A_449 = tpu.scan <max>, %add3A_442 masked %reduce_max3A_448 : vector<16xf32>, vector<16xi1> -> vector<16xf32>
    %reduce_max3A_450 = vector.extract %reduce_max3A_449[15] : f32 from vector<16xf32>
    %broadcast_in_dim3A_451 = vector.broadcast %reduce_max3A_450 : f32 to vector<16xf32>
    %mul3A_452 = arith.constant 1 : i32
    %mul3A_453 = arith.muli %arg1, %mul3A_452 : i32
    %add3A_454 = arith.constant 0 : i32
    %add3A_455 = arith.addi %add3A_454, %mul3A_453 : i32
    %mul3A_456 = arith.constant 16 : i32
    %mul3A_457 = arith.muli %arg0, %mul3A_456 : i32
    %add3A_458 = arith.addi %add3A_455, %mul3A_457 : i32
    %mul3A_459 = arith.constant 49 : i32
    %mul3A_460 = arith.muli %add3A_458, %mul3A_459 : i32
    "tpu.region"() ({
      %run_scoped3A = memref.alloca() : memref<16384xf32, #tpu.memory_space<vmem>>
      %run_scoped3A_461 = tpu.sem_alloc : memref<2x!tpu.dma_semaphore, #tpu.memory_space<semaphore_mem>>
      %run_scoped3A_462 = memref.alloca() : memref<16384xf32, #tpu.memory_space<vmem>>
      %run_scoped3A_463 = tpu.sem_alloc : memref<2x!tpu.dma_semaphore, #tpu.memory_space<semaphore_mem>>
      %add3A_464 = arith.constant 0 : i32
      %add3A_465 = arith.addi %add3A_464, %mul3A_460 : i32
      %select_n3A = arith.constant true
      %select_n3A_466 = arith.constant 0 : i32
      %select_n3A_467 = arith.constant -1 : i32
      %select_n3A_468 = arith.select %select_n3A, %select_n3A_467, %select_n3A_466 : i32
      %eq3A = arith.constant -1 : i32
      %eq3A_469 = arith.cmpi eq, %select_n3A_468, %eq3A : i32
      %select_n3A_470 = arith.constant 48 : i32
      %select_n3A_471 = arith.select %eq3A_469, %select_n3A_470, %select_n3A_468 : i32
      %add3A_472 = arith.addi %select_n3A_471, %mul3A_460 : i32
      %select_n3A_473 = arith.constant true
      %select_n3A_474 = arith.constant 0 : i32
      %select_n3A_475 = arith.constant 1 : i32
      %select_n3A_476 = arith.select %select_n3A_473, %select_n3A_475, %select_n3A_474 : i32
      %eq3A_477 = arith.constant 49 : i32
      %eq3A_478 = arith.cmpi eq, %select_n3A_476, %eq3A_477 : i32
      %select_n3A_479 = arith.constant 0 : i32
      %select_n3A_480 = arith.select %eq3A_478, %select_n3A_479, %select_n3A_476 : i32
      %add3A_481 = arith.addi %select_n3A_480, %mul3A_460 : i32
      %add3A_482 = arith.constant 1 : i32
      %add3A_483 = arith.addi %select_n3A_480, %add3A_482 : i32
      %select_n3A_484 = arith.constant true
      %select_n3A_485 = arith.select %select_n3A_484, %add3A_483, %select_n3A_480 : i32
      %eq3A_486 = arith.constant 49 : i32
      %eq3A_487 = arith.cmpi eq, %select_n3A_485, %eq3A_486 : i32
      %select_n3A_488 = arith.constant 0 : i32
      %select_n3A_489 = arith.select %eq3A_487, %select_n3A_488, %select_n3A_485 : i32
      %add3A_490 = arith.addi %select_n3A_489, %mul3A_460 : i32
      "tpu.trace_start"() <{level = 10 : i32, message = "ep_initialize_0"}> : () -> ()
      %rem3A = arith.constant 0 : i32
      %rem3A_491 = arith.constant 2 : i32
      %rem3A_492 = arith.remui %rem3A, %rem3A_491 : i32
      %mul3A_493 = arith.constant 8192 : i32
      %mul3A_494 = arith.muli %mul3A_493, %add3A_465 : i32
      %mul3A_495 = arith.constant 8192 : i32
      %mul3A_496 = arith.muli %rem3A_492, %mul3A_495 : i32
      %add3A_497 = arith.constant 0 : i32
      %add3A_498 = arith.addi %mul3A_496, %add3A_497 : i32
      %dma_start3A = tpu.memref_slice %run_scoped3A[%add3A_498] : memref<16384xf32, #tpu.memory_space<vmem>> -> memref<8192xf32, #tpu.memory_space<vmem>>
      %dma_start3A_499 = tpu.memref_slice %arg2[%mul3A_494] : memref<12845056xf32, #tpu.memory_space<hbm>> -> memref<8192xf32, #tpu.memory_space<hbm>>
      %dma_start3A_500 = tpu.memref_slice %run_scoped3A_461[%rem3A_492] : memref<2x!tpu.dma_semaphore, #tpu.memory_space<semaphore_mem>> -> memref<1x!tpu.dma_semaphore, #tpu.memory_space<semaphore_mem>>
      %dma_start3A_501 = tpu.memref_squeeze %dma_start3A_500 : memref<1x!tpu.dma_semaphore, #tpu.memory_space<semaphore_mem>> -> memref<!tpu.dma_semaphore, #tpu.memory_space<semaphore_mem>>
      %dma_start3A_502 = tpu.memref_slice %run_scoped3A[%add3A_498] : memref<16384xf32, #tpu.memory_space<vmem>> -> memref<8192xf32, #tpu.memory_space<vmem>>
      %dma_start3A_503 = tpu.memref_slice %arg2[%mul3A_494] : memref<12845056xf32, #tpu.memory_space<hbm>> -> memref<8192xf32, #tpu.memory_space<hbm>>
      tpu.enqueue_dma source(%dma_start3A_503 : memref<8192xf32, #tpu.memory_space<hbm>>) target(%dma_start3A_502 : memref<8192xf32, #tpu.memory_space<vmem>>) target_semaphore(%dma_start3A_501 : memref<!tpu.dma_semaphore, #tpu.memory_space<semaphore_mem>>)
      %add3A_504 = arith.constant 0 : i32
      %add3A_505 = arith.constant 1 : i32
      %add3A_506 = arith.addi %add3A_504, %add3A_505 : i32
      %select_n3A_507 = arith.constant true
      %select_n3A_508 = arith.constant 0 : i32
      %select_n3A_509 = arith.select %select_n3A_507, %add3A_506, %select_n3A_508 : i32
      "tpu.trace_stop"() : () -> ()
      %scan3A = arith.constant 0 : i32
      %scan3A_510 = arith.constant 0 : i32
      %scan3A_511 = arith.constant 0 : i32
      %scan3A_512 = arith.constant 0 : i32
      %scan3A_513 = arith.constant 0 : i32
      %scan3A_514 = arith.constant 49 : i32
      %scan3A_515 = arith.addi %scan3A_513, %scan3A_514 : i32
      %scan3A_516 = arith.constant 1 : i32
      %scan3A_517:5 = scf.for %scan3A_568 = %scan3A_513 to %scan3A_515 step %scan3A_516 iter_args(%scan3A_569 = %select_n3A_509, %scan3A_570 = %scan3A, %scan3A_571 = %scan3A_510, %scan3A_572 = %scan3A_511, %scan3A_573 = %scan3A_512) -> (i32, i32, i32, i32, i32)  : i32 {
        %eq3A_574 = arith.constant 0 : i32
        %eq3A_575 = arith.cmpi eq, %scan3A_568, %eq3A_574 : i32
        %eq3A_576 = arith.constant 48 : i32
        %eq3A_577 = arith.cmpi eq, %scan3A_568, %eq3A_576 : i32
        %add3A_578 = arith.addi %scan3A_573, %mul3A_460 : i32
        %sub3A_579 = arith.constant 1 : i32
        %sub3A_580 = arith.subi %scan3A_573, %sub3A_579 : i32
        %select_n3A_581 = arith.constant true
        %select_n3A_582 = arith.select %select_n3A_581, %sub3A_580, %scan3A_573 : i32
        %eq3A_583 = arith.constant -1 : i32
        %eq3A_584 = arith.cmpi eq, %select_n3A_582, %eq3A_583 : i32
        %select_n3A_585 = arith.constant 48 : i32
        %select_n3A_586 = arith.select %eq3A_584, %select_n3A_585, %select_n3A_582 : i32
        %add3A_587 = arith.addi %select_n3A_586, %mul3A_460 : i32
        %add3A_588 = arith.constant 1 : i32
        %add3A_589 = arith.addi %scan3A_573, %add3A_588 : i32
        %select_n3A_590 = arith.constant true
        %select_n3A_591 = arith.select %select_n3A_590, %add3A_589, %scan3A_573 : i32
        %eq3A_592 = arith.constant 49 : i32
        %eq3A_593 = arith.cmpi eq, %select_n3A_591, %eq3A_592 : i32
        %select_n3A_594 = arith.constant 0 : i32
        %select_n3A_595 = arith.select %eq3A_593, %select_n3A_594, %select_n3A_591 : i32
        %add3A_596 = arith.addi %select_n3A_595, %mul3A_460 : i32
        %add3A_597 = arith.constant 1 : i32
        %add3A_598 = arith.addi %select_n3A_595, %add3A_597 : i32
        %select_n3A_599 = arith.constant true
        %select_n3A_600 = arith.select %select_n3A_599, %add3A_598, %select_n3A_595 : i32
        %eq3A_601 = arith.constant 49 : i32
        %eq3A_602 = arith.cmpi eq, %select_n3A_600, %eq3A_601 : i32
        %select_n3A_603 = arith.constant 0 : i32
        %select_n3A_604 = arith.select %eq3A_602, %select_n3A_603, %select_n3A_600 : i32
        %add3A_605 = arith.addi %select_n3A_604, %mul3A_460 : i32
        %ne3A = arith.cmpi ne, %add3A_578, %add3A_596 : i32
        %or3A = arith.constant false
        %or3A_606 = arith.ori %or3A, %ne3A : i1
        %ge3A = arith.constant 48 : i32
        %ge3A_607 = arith.cmpi sge, %scan3A_568, %ge3A : i32
        %not3A = arith.constant true
        %not3A_608 = arith.xori %ge3A_607, %not3A : i1
        %and3A = arith.andi %or3A_606, %not3A_608 : i1
        %convert_element_type3A = arith.extui %and3A : i1 to i32
        %cond3A = arith.constant 0 : i32
        %cond3A_609 = arith.cmpi ne, %convert_element_type3A, %cond3A : i32
        scf.if %cond3A_609 {
          "tpu.trace_start"() <{level = 10 : i32, message = "ep_copy_in"}> : () -> ()
          %rem3A_708 = arith.constant 2 : i32
          %rem3A_709 = arith.remui %scan3A_569, %rem3A_708 : i32
          %mul3A_710 = arith.constant 8192 : i32
          %mul3A_711 = arith.muli %mul3A_710, %add3A_596 : i32
          %mul3A_712 = arith.constant 8192 : i32
          %mul3A_713 = arith.muli %rem3A_709, %mul3A_712 : i32
          %add3A_714 = arith.constant 0 : i32
          %add3A_715 = arith.addi %mul3A_713, %add3A_714 : i32
          %dma_start3A_716 = tpu.memref_slice %run_scoped3A[%add3A_715] : memref<16384xf32, #tpu.memory_space<vmem>> -> memref<8192xf32, #tpu.memory_space<vmem>>
          %dma_start3A_717 = tpu.memref_slice %arg2[%mul3A_711] : memref<12845056xf32, #tpu.memory_space<hbm>> -> memref<8192xf32, #tpu.memory_space<hbm>>
          %dma_start3A_718 = tpu.memref_slice %run_scoped3A_461[%rem3A_709] : memref<2x!tpu.dma_semaphore, #tpu.memory_space<semaphore_mem>> -> memref<1x!tpu.dma_semaphore, #tpu.memory_space<semaphore_mem>>
          %dma_start3A_719 = tpu.memref_squeeze %dma_start3A_718 : memref<1x!tpu.dma_semaphore, #tpu.memory_space<semaphore_mem>> -> memref<!tpu.dma_semaphore, #tpu.memory_space<semaphore_mem>>
          %dma_start3A_720 = tpu.memref_slice %run_scoped3A[%add3A_715] : memref<16384xf32, #tpu.memory_space<vmem>> -> memref<8192xf32, #tpu.memory_space<vmem>>
          %dma_start3A_721 = tpu.memref_slice %arg2[%mul3A_711] : memref<12845056xf32, #tpu.memory_space<hbm>> -> memref<8192xf32, #tpu.memory_space<hbm>>
          tpu.enqueue_dma source(%dma_start3A_721 : memref<8192xf32, #tpu.memory_space<hbm>>) target(%dma_start3A_720 : memref<8192xf32, #tpu.memory_space<vmem>>) target_semaphore(%dma_start3A_719 : memref<!tpu.dma_semaphore, #tpu.memory_space<semaphore_mem>>)
          "tpu.trace_stop"() : () -> ()
        } else {
        }
        %and3A_610 = arith.constant true
        %and3A_611 = arith.andi %and3A, %and3A_610 : i1
        %add3A_612 = arith.constant 1 : i32
        %add3A_613 = arith.addi %scan3A_569, %add3A_612 : i32
        %select_n3A_614 = arith.select %and3A_611, %add3A_613, %scan3A_569 : i32
        %ne3A_615 = arith.cmpi ne, %add3A_578, %add3A_596 : i32
        %or3A_616 = arith.constant false
        %or3A_617 = arith.ori %or3A_616, %ne3A_615 : i1
        %ge3A_618 = arith.constant 48 : i32
        %ge3A_619 = arith.cmpi sge, %scan3A_568, %ge3A_618 : i32
        %not3A_620 = arith.constant true
        %not3A_621 = arith.xori %ge3A_619, %not3A_620 : i1
        %and3A_622 = arith.andi %or3A_617, %not3A_621 : i1
        %ne3A_623 = arith.cmpi ne, %add3A_578, %add3A_587 : i32
        %or3A_624 = arith.constant false
        %or3A_625 = arith.ori %or3A_624, %ne3A_623 : i1
        %or3A_626 = arith.ori %or3A_625, %eq3A_575 : i1
        %convert_element_type3A_627 = arith.extui %or3A_626 : i1 to i32
        %cond3A_628 = arith.constant 0 : i32
        %cond3A_629 = arith.cmpi ne, %convert_element_type3A_627, %cond3A_628 : i32
        scf.if %cond3A_629 {
          "tpu.trace_start"() <{level = 10 : i32, message = "ep_wait_in"}> : () -> ()
          %mul3A_708 = arith.constant 8192 : i32
          %mul3A_709 = arith.muli %mul3A_708, %add3A_578 : i32
          %rem3A_710 = arith.constant 2 : i32
          %rem3A_711 = arith.remui %scan3A_570, %rem3A_710 : i32
          %mul3A_712 = arith.constant 8192 : i32
          %mul3A_713 = arith.muli %rem3A_711, %mul3A_712 : i32
          %add3A_714 = arith.constant 0 : i32
          %add3A_715 = arith.addi %mul3A_713, %add3A_714 : i32
          %dma_wait3A_716 = tpu.memref_slice %run_scoped3A[%add3A_715] : memref<16384xf32, #tpu.memory_space<vmem>> -> memref<8192xf32, #tpu.memory_space<vmem>>
          %dma_wait3A_717 = tpu.memref_slice %arg2[%mul3A_709] : memref<12845056xf32, #tpu.memory_space<hbm>> -> memref<8192xf32, #tpu.memory_space<hbm>>
          %dma_wait3A_718 = tpu.memref_slice %run_scoped3A_461[%rem3A_711] : memref<2x!tpu.dma_semaphore, #tpu.memory_space<semaphore_mem>> -> memref<1x!tpu.dma_semaphore, #tpu.memory_space<semaphore_mem>>
          %dma_wait3A_719 = tpu.memref_squeeze %dma_wait3A_718 : memref<1x!tpu.dma_semaphore, #tpu.memory_space<semaphore_mem>> -> memref<!tpu.dma_semaphore, #tpu.memory_space<semaphore_mem>>
          %dma_wait3A_720 = tpu.memref_slice %run_scoped3A[%add3A_715] : memref<16384xf32, #tpu.memory_space<vmem>> -> memref<8192xf32, #tpu.memory_space<vmem>>
          %dma_wait3A_721 = tpu.memref_slice %arg2[%mul3A_709] : memref<12845056xf32, #tpu.memory_space<hbm>> -> memref<8192xf32, #tpu.memory_space<hbm>>
          tpu.wait_dma2 semaphore(%dma_wait3A_719 : memref<!tpu.dma_semaphore, #tpu.memory_space<semaphore_mem>>) src(%dma_wait3A_721 : memref<8192xf32, #tpu.memory_space<hbm>>) dst(%dma_wait3A_720 : memref<8192xf32, #tpu.memory_space<vmem>>)
          "tpu.trace_stop"() : () -> ()
        } else {
        }
        %ne3A_630 = arith.cmpi ne, %add3A_578, %add3A_587 : i32
        %or3A_631 = arith.constant false
        %or3A_632 = arith.ori %or3A_631, %ne3A_630 : i1
        %or3A_633 = arith.ori %or3A_632, %eq3A_575 : i1
        %convert_element_type3A_634 = arith.extui %or3A_633 : i1 to i32
        %cond3A_635 = arith.constant 0 : i32
        %cond3A_636 = arith.cmpi ne, %convert_element_type3A_634, %cond3A_635 : i32
        scf.if %cond3A_636 {
        } else {
        }
        %rem3A_637 = arith.constant 2 : i32
        %rem3A_638 = arith.remui %scan3A_570, %rem3A_637 : i32
        %mul3A_639 = arith.constant 8192 : i32
        %mul3A_640 = arith.muli %rem3A_638, %mul3A_639 : i32
        %rem3A_641 = arith.constant 2 : i32
        %rem3A_642 = arith.remui %scan3A_571, %rem3A_641 : i32
        %mul3A_643 = arith.constant 8192 : i32
        %mul3A_644 = arith.muli %rem3A_642, %mul3A_643 : i32
        %parallel_loop3A = arith.constant 0 : i32
        %parallel_loop3A_645 = arith.constant 8192 : i32
        %parallel_loop3A_646 = arith.constant 16 : i32
        "tpu.trace_start"() <{level = 10 : i32, message = "ep_run_kernel"}> : () -> ()
        scf.for %parallel_loop3A_708 = %parallel_loop3A to %parallel_loop3A_645 step %parallel_loop3A_646  : i32 {
          %parallel_loop3A_709 = tpu.memref_slice %run_scoped3A[%mul3A_640] : memref<16384xf32, #tpu.memory_space<vmem>> -> memref<8192xf32, #tpu.memory_space<vmem>>
          %parallel_loop3A_710 = arith.index_cast %parallel_loop3A_708 : i32 to index
          %parallel_loop3A_711 = tpu.vector_load %parallel_loop3A_709[%parallel_loop3A_710] {strides = array<i32>} : memref<8192xf32, #tpu.memory_space<vmem>>, vector<16xf32>,
          %parallel_loop3A_712 = arith.mulf %parallel_loop3A_711, %div3A_2 : vector<16xf32>
          %parallel_loop3A_713 = arith.constant -2.400000e+02 : f32
          %parallel_loop3A_714 = vector.broadcast %parallel_loop3A_713 : f32 to vector<16xf32>
          %parallel_loop3A_715 = arith.maximumf %parallel_loop3A_712, %parallel_loop3A_714 : vector<16xf32>
          %parallel_loop3A_716 = arith.constant 2.400000e+02 : f32
          %parallel_loop3A_717 = vector.broadcast %parallel_loop3A_716 : f32 to vector<16xf32>
          %parallel_loop3A_718 = arith.minimumf %parallel_loop3A_715, %parallel_loop3A_717 : vector<16xf32>
          %parallel_loop3A_719 = arith.constant 0x4B4000F0 : f32
          %parallel_loop3A_720 = vector.broadcast %parallel_loop3A_719 : f32 to vector<16xf32>
          %parallel_loop3A_721 = arith.addf %parallel_loop3A_718, %parallel_loop3A_720 : vector<16xf32>
          %parallel_loop3A_722 = arith.constant 0x4B400000 : f32
          %parallel_loop3A_723 = vector.broadcast %parallel_loop3A_722 : f32 to vector<16xf32>
          %parallel_loop3A_724 = arith.subf %parallel_loop3A_721, %parallel_loop3A_723 : vector<16xf32>
          %parallel_loop3A_725 = arith.fptosi %parallel_loop3A_724 : vector<16xf32> to vector<16xi32>
          %parallel_loop3A_726 = tpu.vector_load_idx %arg8[%parallel_loop3A_725] : memref<512xf32, #tpu.memory_space<vmem>>[vector<16xi32>], vector<16xf32>,
          %parallel_loop3A_727 = tpu.memref_slice %run_scoped3A_462[%mul3A_644] : memref<16384xf32, #tpu.memory_space<vmem>> -> memref<8192xf32, #tpu.memory_space<vmem>>
          %parallel_loop3A_728 = arith.index_cast %parallel_loop3A_708 : i32 to index
          %parallel_loop3A_729 = tpu.vector_load %parallel_loop3A_727[%parallel_loop3A_728] {strides = array<i32>} : memref<8192xf32, #tpu.memory_space<vmem>>, vector<16xf32>,
          tpu.vector_store %parallel_loop3A_727[%parallel_loop3A_728], %parallel_loop3A_726 {strides = array<i32>} : memref<8192xf32, #tpu.memory_space<vmem>>, vector<16xf32>,
        } {sc.loop_unroll_factor = 8 : i64, sc.parallel_access}
        "tpu.trace_stop"() : () -> ()
        %ne3A_647 = arith.cmpi ne, %add3A_578, %add3A_596 : i32
        %or3A_648 = arith.constant false
        %or3A_649 = arith.ori %or3A_648, %ne3A_647 : i1
        %or3A_650 = arith.ori %or3A_649, %eq3A_577 : i1
        %convert_element_type3A_651 = arith.extui %or3A_650 : i1 to i32
        %cond3A_652 = arith.constant 0 : i32
        %cond3A_653 = arith.cmpi ne, %convert_element_type3A_651, %cond3A_652 : i32
        scf.if %cond3A_653 {
        } else {
        }
        %and3A_654 = arith.constant false
        %and3A_655 = arith.andi %or3A_650, %and3A_654 : i1
        %ne3A_656 = arith.cmpi ne, %add3A_578, %add3A_596 : i32
        %or3A_657 = arith.constant false
        %or3A_658 = arith.ori %or3A_657, %ne3A_656 : i1
        %or3A_659 = arith.ori %or3A_658, %eq3A_577 : i1
        %convert_element_type3A_660 = arith.extui %or3A_659 : i1 to i32
        %cond3A_661 = arith.constant 0 : i32
        %cond3A_662 = arith.cmpi ne, %convert_element_type3A_660, %cond3A_661 : i32
        scf.if %cond3A_662 {
          "tpu.trace_start"() <{level = 10 : i32, message = "ep_copy_out"}> : () -> ()
          %rem3A_708 = arith.constant 2 : i32
          %rem3A_709 = arith.remui %scan3A_571, %rem3A_708 : i32
          %mul3A_710 = arith.constant 8192 : i32
          %mul3A_711 = arith.muli %mul3A_710, %add3A_578 : i32
          %mul3A_712 = arith.constant 8192 : i32
          %mul3A_713 = arith.muli %rem3A_709, %mul3A_712 : i32
          %add3A_714 = arith.constant 0 : i32
          %add3A_715 = arith.addi %mul3A_713, %add3A_714 : i32
          %dma_start3A_716 = tpu.memref_slice %run_scoped3A_462[%add3A_715] : memref<16384xf32, #tpu.memory_space<vmem>> -> memref<8192xf32, #tpu.memory_space<vmem>>
          %dma_start3A_717 = tpu.memref_slice %arg5[%mul3A_711] : memref<12845056xf32, #tpu.memory_space<hbm>> -> memref<8192xf32, #tpu.memory_space<hbm>>
          %dma_start3A_718 = tpu.memref_slice %run_scoped3A_463[%rem3A_709] : memref<2x!tpu.dma_semaphore, #tpu.memory_space<semaphore_mem>> -> memref<1x!tpu.dma_semaphore, #tpu.memory_space<semaphore_mem>>
          %dma_start3A_719 = tpu.memref_squeeze %dma_start3A_718 : memref<1x!tpu.dma_semaphore, #tpu.memory_space<semaphore_mem>> -> memref<!tpu.dma_semaphore, #tpu.memory_space<semaphore_mem>>
          %dma_start3A_720 = tpu.memref_slice %arg5[%mul3A_711] : memref<12845056xf32, #tpu.memory_space<hbm>> -> memref<8192xf32, #tpu.memory_space<hbm>>
          %dma_start3A_721 = tpu.memref_slice %run_scoped3A_462[%add3A_715] : memref<16384xf32, #tpu.memory_space<vmem>> -> memref<8192xf32, #tpu.memory_space<vmem>>
          tpu.enqueue_dma source(%dma_start3A_721 : memref<8192xf32, #tpu.memory_space<vmem>>) target(%dma_start3A_720 : memref<8192xf32, #tpu.memory_space<hbm>>) target_semaphore(%dma_start3A_719 : memref<!tpu.dma_semaphore, #tpu.memory_space<semaphore_mem>>)
          "tpu.trace_stop"() : () -> ()
        } else {
        }
        %and3A_663 = arith.constant true
        %and3A_664 = arith.andi %or3A_659, %and3A_663 : i1
        %add3A_665 = arith.constant 1 : i32
        %add3A_666 = arith.addi %scan3A_571, %add3A_665 : i32
        %select_n3A_667 = arith.select %and3A_664, %add3A_666, %scan3A_571 : i32
        %ne3A_668 = arith.cmpi ne, %add3A_578, %add3A_587 : i32
        %or3A_669 = arith.constant false
        %or3A_670 = arith.ori %or3A_669, %ne3A_668 : i1
        %not3A_671 = arith.constant true
        %not3A_672 = arith.xori %eq3A_575, %not3A_671 : i1
        %and3A_673 = arith.andi %or3A_670, %not3A_672 : i1
        %convert_element_type3A_674 = arith.extui %and3A_673 : i1 to i32
        %cond3A_675 = arith.constant 0 : i32
        %cond3A_676 = arith.cmpi ne, %convert_element_type3A_674, %cond3A_675 : i32
        scf.if %cond3A_676 {
        } else {
        }
        %and3A_677 = arith.constant false
        %and3A_678 = arith.andi %and3A_673, %and3A_677 : i1
        %ne3A_679 = arith.cmpi ne, %add3A_578, %add3A_587 : i32
        %or3A_680 = arith.constant false
        %or3A_681 = arith.ori %or3A_680, %ne3A_679 : i1
        %not3A_682 = arith.constant true
        %not3A_683 = arith.xori %eq3A_575, %not3A_682 : i1
        %and3A_684 = arith.andi %or3A_681, %not3A_683 : i1
        %convert_element_type3A_685 = arith.extui %and3A_684 : i1 to i32
        %cond3A_686 = arith.constant 0 : i32
        %cond3A_687 = arith.cmpi ne, %convert_element_type3A_685, %cond3A_686 : i32
        scf.if %cond3A_687 {
          "tpu.trace_start"() <{level = 10 : i32, message = "ep_wait_out"}> : () -> ()
          %rem3A_708 = arith.constant 2 : i32
          %rem3A_709 = arith.remui %scan3A_572, %rem3A_708 : i32
          %mul3A_710 = arith.constant 8192 : i32
          %mul3A_711 = arith.muli %mul3A_710, %add3A_587 : i32
          %mul3A_712 = arith.constant 8192 : i32
          %mul3A_713 = arith.muli %rem3A_709, %mul3A_712 : i32
          %add3A_714 = arith.constant 0 : i32
          %add3A_715 = arith.addi %mul3A_713, %add3A_714 : i32
          %dma_wait3A_716 = tpu.memref_slice %run_scoped3A_462[%add3A_715] : memref<16384xf32, #tpu.memory_space<vmem>> -> memref<8192xf32, #tpu.memory_space<vmem>>
          %dma_wait3A_717 = tpu.memref_slice %arg5[%mul3A_711] : memref<12845056xf32, #tpu.memory_space<hbm>> -> memref<8192xf32, #tpu.memory_space<hbm>>
          %dma_wait3A_718 = tpu.memref_slice %run_scoped3A_463[%rem3A_709] : memref<2x!tpu.dma_semaphore, #tpu.memory_space<semaphore_mem>> -> memref<1x!tpu.dma_semaphore, #tpu.memory_space<semaphore_mem>>
          %dma_wait3A_719 = tpu.memref_squeeze %dma_wait3A_718 : memref<1x!tpu.dma_semaphore, #tpu.memory_space<semaphore_mem>> -> memref<!tpu.dma_semaphore, #tpu.memory_space<semaphore_mem>>
          %dma_wait3A_720 = tpu.memref_slice %arg5[%mul3A_711] : memref<12845056xf32, #tpu.memory_space<hbm>> -> memref<8192xf32, #tpu.memory_space<hbm>>
          %dma_wait3A_721 = tpu.memref_slice %run_scoped3A_462[%add3A_715] : memref<16384xf32, #tpu.memory_space<vmem>> -> memref<8192xf32, #tpu.memory_space<vmem>>
          tpu.wait_dma2 semaphore(%dma_wait3A_719 : memref<!tpu.dma_semaphore, #tpu.memory_space<semaphore_mem>>) src(%dma_wait3A_721 : memref<8192xf32, #tpu.memory_space<vmem>>) dst(%dma_wait3A_720 : memref<8192xf32, #tpu.memory_space<hbm>>)
          "tpu.trace_stop"() : () -> ()
        } else {
        }
        %and3A_688 = arith.constant true
        %and3A_689 = arith.andi %and3A_684, %and3A_688 : i1
        %add3A_690 = arith.constant 1 : i32
        %add3A_691 = arith.addi %scan3A_572, %add3A_690 : i32
        %select_n3A_692 = arith.select %and3A_689, %add3A_691, %scan3A_572 : i32
        %ne3A_693 = arith.cmpi ne, %add3A_578, %add3A_596 : i32
        %or3A_694 = arith.constant false
        %or3A_695 = arith.ori %or3A_694, %ne3A_693 : i1
        %or3A_696 = arith.ori %or3A_695, %eq3A_577 : i1
        %add3A_697 = arith.constant 1 : i32
        %add3A_698 = arith.addi %scan3A_570, %add3A_697 : i32
        %select_n3A_699 = arith.select %or3A_696, %add3A_698, %scan3A_570 : i32
        %add3A_700 = arith.constant 1 : i32
        %add3A_701 = arith.addi %scan3A_573, %add3A_700 : i32
        %select_n3A_702 = arith.constant true
        %select_n3A_703 = arith.select %select_n3A_702, %add3A_701, %scan3A_573 : i32
        %eq3A_704 = arith.constant 49 : i32
        %eq3A_705 = arith.cmpi eq, %select_n3A_703, %eq3A_704 : i32
        %select_n3A_706 = arith.constant 0 : i32
        %select_n3A_707 = arith.select %eq3A_705, %select_n3A_706, %select_n3A_703 : i32
        scf.yield %select_n3A_614, %select_n3A_699, %select_n3A_667, %select_n3A_692, %select_n3A_707 : i32, i32, i32, i32, i32
      }
      %scan3A_518 = arith.constant 49 : i32
      %sub3A_519 = arith.constant 1 : i32
      %sub3A_520 = arith.subi %scan3A_517#4, %sub3A_519 : i32
      %select_n3A_521 = arith.constant true
      %select_n3A_522 = arith.select %select_n3A_521, %sub3A_520, %scan3A_517#4 : i32
      %eq3A_523 = arith.constant -1 : i32
      %eq3A_524 = arith.cmpi eq, %select_n3A_522, %eq3A_523 : i32
      %select_n3A_525 = arith.constant 48 : i32
      %select_n3A_526 = arith.select %eq3A_524, %select_n3A_525, %select_n3A_522 : i32
      %add3A_527 = arith.addi %select_n3A_526, %mul3A_460 : i32
      %sub3A_528 = arith.constant 1 : i32
      %sub3A_529 = arith.subi %select_n3A_526, %sub3A_528 : i32
      %select_n3A_530 = arith.constant true
      %select_n3A_531 = arith.select %select_n3A_530, %sub3A_529, %select_n3A_526 : i32
      %eq3A_532 = arith.constant -1 : i32
      %eq3A_533 = arith.cmpi eq, %select_n3A_531, %eq3A_532 : i32
      %select_n3A_534 = arith.constant 48 : i32
      %select_n3A_535 = arith.select %eq3A_533, %select_n3A_534, %select_n3A_531 : i32
      %add3A_536 = arith.addi %select_n3A_535, %mul3A_460 : i32
      %add3A_537 = arith.constant 1 : i32
      %add3A_538 = arith.addi %select_n3A_526, %add3A_537 : i32
      %select_n3A_539 = arith.constant true
      %select_n3A_540 = arith.select %select_n3A_539, %add3A_538, %select_n3A_526 : i32
      %eq3A_541 = arith.constant 49 : i32
      %eq3A_542 = arith.cmpi eq, %select_n3A_540, %eq3A_541 : i32
      %select_n3A_543 = arith.constant 0 : i32
      %select_n3A_544 = arith.select %eq3A_542, %select_n3A_543, %select_n3A_540 : i32
      %add3A_545 = arith.addi %select_n3A_544, %mul3A_460 : i32
      %add3A_546 = arith.constant 1 : i32
      %add3A_547 = arith.addi %select_n3A_544, %add3A_546 : i32
      %select_n3A_548 = arith.constant true
      %select_n3A_549 = arith.select %select_n3A_548, %add3A_547, %select_n3A_544 : i32
      %eq3A_550 = arith.constant 49 : i32
      %eq3A_551 = arith.cmpi eq, %select_n3A_549, %eq3A_550 : i32
      %select_n3A_552 = arith.constant 0 : i32
      %select_n3A_553 = arith.select %eq3A_551, %select_n3A_552, %select_n3A_549 : i32
      %add3A_554 = arith.addi %select_n3A_553, %mul3A_460 : i32
      "tpu.trace_start"() <{level = 10 : i32, message = "ep_finalize"}> : () -> ()
      %rem3A_555 = arith.constant 2 : i32
      %rem3A_556 = arith.remui %scan3A_517#3, %rem3A_555 : i32
      %mul3A_557 = arith.constant 8192 : i32
      %mul3A_558 = arith.muli %mul3A_557, %add3A_527 : i32
      %mul3A_559 = arith.constant 8192 : i32
      %mul3A_560 = arith.muli %rem3A_556, %mul3A_559 : i32
      %add3A_561 = arith.constant 0 : i32
      %add3A_562 = arith.addi %mul3A_560, %add3A_561 : i32
      %dma_wait3A = tpu.memref_slice %run_scoped3A_462[%add3A_562] : memref<16384xf32, #tpu.memory_space<vmem>> -> memref<8192xf32, #tpu.memory_space<vmem>>
      %dma_wait3A_563 = tpu.memref_slice %arg5[%mul3A_558] : memref<12845056xf32, #tpu.memory_space<hbm>> -> memref<8192xf32, #tpu.memory_space<hbm>>
      %dma_wait3A_564 = tpu.memref_slice %run_scoped3A_463[%rem3A_556] : memref<2x!tpu.dma_semaphore, #tpu.memory_space<semaphore_mem>> -> memref<1x!tpu.dma_semaphore, #tpu.memory_space<semaphore_mem>>
      %dma_wait3A_565 = tpu.memref_squeeze %dma_wait3A_564 : memref<1x!tpu.dma_semaphore, #tpu.memory_space<semaphore_mem>> -> memref<!tpu.dma_semaphore, #tpu.memory_space<semaphore_mem>>
      %dma_wait3A_566 = tpu.memref_slice %arg5[%mul3A_558] : memref<12845056xf32, #tpu.memory_space<hbm>> -> memref<8192xf32, #tpu.memory_space<hbm>>
      %dma_wait3A_567 = tpu.memref_slice %run_scoped3A_462[%add3A_562] : memref<16384xf32, #tpu.memory_space<vmem>> -> memref<8192xf32, #tpu.memory_space<vmem>>
      tpu.wait_dma2 semaphore(%dma_wait3A_565 : memref<!tpu.dma_semaphore, #tpu.memory_space<semaphore_mem>>) src(%dma_wait3A_567 : memref<8192xf32, #tpu.memory_space<vmem>>) dst(%dma_wait3A_566 : memref<8192xf32, #tpu.memory_space<hbm>>)
      "tpu.trace_stop"() : () -> ()
      tpu.yield
    }) : () -> ()
    return
  }
}

</mosaic_0001>

<sc_bundles>
// kernel: kernel.3.cloned.1.call-start
scs
__scs_entry_jumppad:
0x0: {  	(pc) =	sbr.rel $0x88, $3  }
0x1: {  	(tag) =	ssettag $0x0;
	lr =	simm.s32 $0x1  }
0x2: {  	[smem:$0x3F9E] =	sst lr;
	_ =	strace $0xD0000000  }
0x3: {  	_ = 	snop  }
0x4: {  	_ = 	snop  }
0x5: {  	_ = 	snop  }
0x6: {  	_ = 	snop  }
0x7: {  	_ = 	snop  }
__scs_overlays_trampoline_lowered:
0x8: {  	[smem:$0x3FAD] =	sst s0  }
0x9: {  	[smem:$0x3FAE] =	sst s1  }
0xa: {  	[smem:$0x3FAF] =	sst s2  }
0xb: {  	[smem:$0x3FB0] =	sst s3  }
0xc: {  	[smem:$0x3FB1] =	sst s4  }
0xd: {  	[smem:$0x3FB2] =	sst s5  }
0xe: {  	[smem:$0x3FB3] =	sst s6  }
0xf: {  	[smem:$0x3FB4] =	sst s7  }
0x10: {  	[smem:$0x3FB5] =	sst s8  }
0x11: {  	[smem:$0x3FB6] =	sst s9;
	s0 =	simm.s32 @!p0 $0x0  }
0x12: {  	s1 =	sld [smem:$0x3F9C];
	s0 =	simm.s32 @p0 $0x1  }
0x13: {  	[smem:$0x3FB7] =	sst s0;
	s0 =	simm.s32 @!p1 $0x0  }
0x14: {  	s2 =	sld [smem:$0x3F9B];
	s0 =	simm.s32 @p1 $0x1  }
0x15: {  	[smem:$0x3FB8] =	sst s0;
	s0 =	simm.s32 @!p2 $0x0  }
0x16: {  	s3 =	sld [smem:$0x3FDB];
	s0 =	simm.s32 @p2 $0x1  }
0x17: {  	s4 =	simm.s32 $0x1BF5;
	[smem:$0x3FBA] =	sst s0  }
0x18: {  	s0 =	sld [smem:$0x3F9D];
	_ =	swait.ge [sflag:s4], $0x0  }
0x19: {  	s7 =	sld [smem:$0x3F9E]  }
0x1a: {  	s8 =	sadd.s32 $0xFFFFE003, lr  }
0x1b: {  	s9 =	sadd.s32 $0xFFFFFEF7, lr;
	s5 =	simm.s32 $0xFFFFFFFF;
	p2 =	slt.u32 s8, $0xFFFFF086  }
0x1c: {  	p1 =	slt.u32 s9, $0xF7A;
	s5 =	simm.s32 @!p2 $0x0  }
0x1d: {  	s5 =	simm.s32 @p1 $0x1;
	p0 =	seq.s32 s7, s2  }
0x1e: {  	s7 =	smul.u32 @!p0 $0xF7A, s2;
	p2 =	seq.s32 @!p0 s5, $0x0  }
0x1f: {  	s9 =	smul.u32 $0xF7A, s1;
	s8 =	simm.s32 @!p0 $0x1BF5;
	p2 =	por !p2, p0  }
0x20: {  	[sflag:s8] =	ssyncset.s32 @!p0 $0xFFFFF086;
	s6 =	sadd.s32 @!p0 s3, s7;
	s7 =	simm.s32 @!p0 $0x108  }
0x21: {  	s3 =	sadd.s32 s3, s9;
	s6 =	sadd.s32 @!p0 $0x88, s6;
	s7 =	simm.s32 @p2 $0x1082  }
0x22: {  	[simem:s7], [sflag:s8] =	dma.local @!p0 [hbm:s6], $0xF7A  }
0x23: {  	s9 =	sor.u32 $0xD0000000, s2;
	s6 =	simm.s32 $0x108;
	_ =	swait.ge @!p0 [sflag:s8], $0x0  }
0x24: {  	s3 =	sadd.s32 $0x88, s3;
	s6 =	simm.s32 @!p1 $0x1082;
	[sflag:s4] =	ssyncset.s32 $0xFFFFF086  }
0x25: {  	[simem:s6], [sflag:s4] =	dma.local [hbm:s3], $0xF7A  }
0x26: {  	[smem:$0x3F9E] =	sst s1;
	(tag) =	ssettag s2;
	_ =	strace s9  }
0x27: {  	s1 =	sld [smem:$0x3FAE]  }
0x28: {  	s2 =	sld [smem:$0x3FAF]  }
0x29: {  	s4 =	sld [smem:$0x3FB1]  }
0x2a: {  	p0 =	seq.s32 s5, $0x0;
	s5 =	sld [smem:$0x3FB2]  }
0x2b: {  	s6 =	sld [smem:$0x3FB3]  }
0x2c: {  	s7 =	sld [smem:$0x3FB4]  }
0x2d: {  	s3 =	simm.s32 $0x108;
	s8 =	sld [smem:$0x3FB5]  }
0x2e: {  	s3 =	simm.s32 @!p0 $0x1082;
	s9 =	sld [smem:$0x3FB6]  }
0x2f: {  	lr =	sadd.s32 s0, s3;
	s0 =	sld [smem:$0x3FAD]  }
0x30: {  	s3 =	sld [smem:$0x3FB0]  }
0x31: {  	[smem:$0x3FB9] =	sst s10  }
0x32: {  	s10 =	sld [smem:$0x3FB7];
	_ =	sdelay $0x3  }
0x33: {  	p0 =	seq.s32 s10, $0x1;
	s10 =	sld [smem:$0x3FB9];
	_ =	sdelay $0x3  }
0x34: {  	[smem:$0x3FB9] =	sst s10  }
0x35: {  	s10 =	sld [smem:$0x3FB8];
	_ =	sdelay $0x3  }
0x36: {  	p1 =	seq.s32 s10, $0x1;
	s10 =	sld [smem:$0x3FB9];
	_ =	sdelay $0x3  }
0x37: {  	[smem:$0x3FB9] =	sst s10  }
0x38: {  	s10 =	sld [smem:$0x3FBA]  }
0x39: {  	_ = 	snop;
	(pc) =	sbr.ind lr, $3  }
0x3a: {  	_ = 	snop  }
0x3b: {  	_ = 	snop  }
0x3c: {  	p2 =	seq.s32 s10, $0x1;
	s10 =	sld [smem:$0x3FB9]  }
0x3d: {  	_ =	shalt  }
0x3e: {  	_ =	shalt  }
0x3f: {  	_ =	shalt  }
0x40: {  	_ =	shalt  }
0x41: {  	_ =	shalt  }
0x42: {  	_ =	shalt  }
0x43: {  	_ =	shalt  }
0x44: {  	_ =	shalt  }
0x45: {  	_ =	shalt  }
0x46: {  	_ =	shalt  }
0x47: {  	_ =	shalt  }
0x48: {  	_ =	shalt  }
0x49: {  	_ =	shalt  }
0x4a: {  	_ =	shalt  }
0x4b: {  	_ =	shalt  }
0x4c: {  	_ =	shalt  }
0x4d: {  	_ =	shalt  }
0x4e: {  	_ =	shalt  }
0x4f: {  	_ =	shalt  }
0x50: {  	_ =	shalt  }
0x51: {  	_ =	shalt  }
0x52: {  	_ =	shalt  }
0x53: {  	_ =	shalt  }
0x54: {  	_ =	shalt  }
0x55: {  	_ =	shalt  }
0x56: {  	_ =	shalt  }
0x57: {  	_ =	shalt  }
0x58: {  	_ =	shalt  }
0x59: {  	_ =	shalt  }
0x5a: {  	_ =	shalt  }
0x5b: {  	_ =	shalt  }
0x5c: {  	_ =	shalt  }
0x5d: {  	_ =	shalt  }
0x5e: {  	_ =	shalt  }
0x5f: {  	_ =	shalt  }
0x60: {  	_ =	shalt  }
0x61: {  	_ =	shalt  }
0x62: {  	_ =	shalt  }
0x63: {  	_ =	shalt  }
0x64: {  	_ =	shalt  }
0x65: {  	_ =	shalt  }
0x66: {  	_ =	shalt  }
0x67: {  	_ =	shalt  }
0x68: {  	_ =	shalt  }
0x69: {  	_ =	shalt  }
0x6a: {  	_ =	shalt  }
0x6b: {  	_ =	shalt  }
0x6c: {  	_ =	shalt  }
0x6d: {  	_ =	shalt  }
0x6e: {  	_ =	shalt  }
0x6f: {  	_ =	shalt  }
0x70: {  	_ =	shalt  }
0x71: {  	_ =	shalt  }
0x72: {  	_ =	shalt  }
0x73: {  	_ =	shalt  }
0x74: {  	_ =	shalt  }
0x75: {  	_ =	shalt  }
0x76: {  	_ =	shalt  }
0x77: {  	_ =	shalt  }
0x78: {  	_ =	shalt  }
0x79: {  	_ =	shalt  }
0x7a: {  	_ =	shalt  }
0x7b: {  	_ =	shalt  }
0x7c: {  	_ =	shalt  }
0x7d: {  	_ =	shalt  }
0x7e: {  	_ =	shalt  }
0x7f: {  	_ =	shalt  }
0x80: {  	_ =	shalt  }
0x81: {  	_ =	shalt  }
0x82: {  	_ =	shalt  }
0x83: {  	_ =	shalt  }
0x84: {  	_ =	shalt  }
0x85: {  	_ =	shalt  }
0x86: {  	_ =	shalt  }
0x87: {  	_ =	shalt  }
.Lfunc_end0:
.L_simem_size_0:
called_computation.1_lowered:
.L_overlay_start_0:
0x88: {  	s2 =	sld [smem:$0x3FD9]  }
0x89: {  	s3 =	sld [smem:$0x3FFE];
	_ =	sdelay $0x1  }
0x8a: {  	s1 =	srdreg.scid  }
0x8b: {  	s0 =	sand.u32 $0x1, s1  }
0x8c: {  	s17 =	sshll.u32 s0, $0xA;
	s2 =	sadd.s32 s3, s2  }
0x8d: {  	s2 =	sadd.s32 s2, s17  }
0x8e: {  	[smem:$0x3FC5] =	sst s2  }
0x8f: {  	_ = 	snop  }
0x90: {  	s2 =	sld [smem:$0x3FD0];
	(tm) =	ssettm $0x1  }
0x91: {  	s18 =	sld [smem:$0x3FFB];
	_ =	sdelay $0x3  }
0x92: {  	_ =	strace s18  }
0x93: {  	s3 =	sld [smem:$0x3FFC];
	_ =	sdelay $0x3  }
0x94: {  	_ =	strace s3  }
0x95: {  	s3 =	sld [smem:$0x3FFD];
	_ =	sdelay $0x3  }
0x96: {  	_ =	strace s3  }
0x97: {  	_ =	strace $0x8FFFFFFF  }
0x98: {  	s19 =	sld [smem:$0x3FDB];
	_ =	sdelay $0x1  }
0x99: {  	s4 =	simm.s32 $_scs_section_size  }
0x9a: {  	s5 =	simm.s32 $_size__tile_overlayer_lowered;
	s6 =	simm.s32 $_tile_overlayer_lowered  }
0x9b: {  	s22 =	simm.s32 $0x1BFF;
	s21 =	sshll.u32 s6, $0x1;
	s3 =	sadd.s32 s4, s19  }
0x9c: {  	s7 =	simm.s32 $0x0;
	s20 =	sshll.u32 s5, $0x1;
	s5 =	sadd.s32 s21, s3  }
0x9d: {  	[timem:s7], [sflag:s22] =	dma.local [hbm:s5], s20  }
0x9e: {  	_ =	swait.ge [sflag:s22], s20  }
0x9f: {  	s4 =	ssub.s32 $0x0, s20;
	[sflag:s22] =	ssyncset.done $0x0  }
0xa0: {  	[sflag:s22] =	ssyncadd.s32 s4;
	_ =	sdelay $0x1  }
0xa1: {  	s23 =	simm.s32 $0x1B8B  }
0xa2: {  	_ =	swait.ge [sflag:s23], $0x1  }
0xa3: {  	[sflag:s23] =	ssyncset.done $0x0  }
0xa4: {  	s25 =	simm.s32 $0x1B8E;
	s24 =	sld [smem:$0x3FFE];
	[sflag:s23] =	ssyncadd.s32 $0xFFFFFFFF  }
0xa5: {  	s26 =	simm.s32 $execute0_lowered;
	[smem:$0x3FD2] =	sst s25  }
0xa6: {  	s5 =	sshll.u32 s26, $0x1;
	_ =	strace $0x80000046;
	[dreg:$0x1] =	wrdreg $0xFFFFFFFF  }
0xa7: {  	s28 =	simm.s32 $_size_execute0_lowered;
	s3 =	sadd.s32 s3, s5;
	[dreg:$0x0] =	wrdreg $0x0  }
0xa8: {  	s5 =	sshll.u32 s28, $0x1;
	[dreg:$0x2] =	wrdreg s3  }
0xa9: {  	[dreg:$0x3] =	wrdreg s5  }
0xaa: {  	[dreg:$0x4] =	wrdreg $0xC0  }
0xab: {  	_ =	task [dreg:s7], $0x5FFFF  }
0xac: {  	[dreg:$0x1] =	wrdreg $0xFFFFFFFF  }
0xad: {  	[dreg:$0x0] =	wrdreg $0x60  }
0xae: {  	[dreg:$0x2] =	wrdreg s2  }
0xaf: {  	[dreg:$0x3] =	wrdreg s24  }
0xb0: {  	[dreg:$0x4] =	wrdreg $0x9  }
0xb1: {  	_ =	task.clear_ibuf [dreg:s7], $0x5FFFF;
	_ =	strace $0x90000046  }
0xb2: {  	s29 =	simm.s32 $0x9;
	_ =	strace $0x8000004F  }
0xb3: {  	_ =	swait.ge [sflag:s29], $0x1  }
0xb4: {  	[sflag:s29] =	ssyncadd.s32 $0xFFFFFFFF  }
0xb5: {  	_ =	strace $0x9000004F  }
0xb6: {  	_ =	sfence  }
0xb7: {  	s30 =	sld [smem:$0x0];
	_ =	sdelay $0x2  }
0xb8: {  	s31 =	sshll.u32 s1, $0xD;
	s1 =	sshrl.u32 s1, $0x2  }
0xb9: {  	s3 =	sand.u32 $0x4000, s31;
	s1 =	sadd.s32 s1, s30  }
0xba: {  	s0 =	sor.u32 s3, s0;
	s1 =	sshll.u32 s1, $0x11  }
0xbb: {  	s0 =	sor.u32 s1, s0  }
0xbc: {  	s0 =	sadd.s32 $0x8F2B, s0  }
0xbd: {  	[sflag:s0] =	ssyncadd.remote.s32 $0x1  }
0xbe: {  	_ =	sfence.sel $0xFFFF  }
0xbf: {  	[dreg:$0x0] =	wrdreg $0xFFFFFFFF;
	(pc) =	sbr.abs _section_cstart, $3  }
0xc0: {  	[dreg:$0x1] =	wrdreg $0xFFFFFFFF  }
0xc1: {  	_ =	task.clear_ibuf [dreg:s7], $0x2FFFF;
	_ =	strace $0x9FFFFFFF  }
0xc2: {  	(tm) =	ssettm $0x7FFFFFFF  }
0xc3: {  	_ =	shalt  }
tec
execute0_lowered:
.L_overlay_start_1:
0x0: {  	(tag) =	ssettag $0x1  }
0x1: {  	s1 =	rddreg [dreg:$0x0]  }
0x2: {  	s6 =	rddreg [dreg:$0x1];
	s2 =	simm.s32 $0x0  }
0x3: {  	[smem:$0x7FF] =	sst s2  }
0x4: {  	s0 =	rddreg [dreg:$0x2];
	v0 =	vimm.f32 $1.500000000e+01;
	_ =	strace $0x80000047  }
0x5: {  	(erf) = vrcp.f32 v0;
	_ =	sdelay $0x2  }
0x6: {  	s3 =	srdreg.scid;
	v16 =	vlaneseq.u32;
	s11 =	simm.s32 $0x180;
	s12 =	simm.s32 $0x380  }
0x7: {  	s13 =	simm.s32 $0x1;
	s14 =	simm.s32 $0x3;
	s4 =	sand.u32 $0x1, s3;
	v1 =	vadd.s32 $0xF1, v16  }
0x8: {  	s15 =	simm.s32 $0x0;
	s3 =	stileid.u32;
	v2 =	vadd.s32 $0x101, v16;
	v3 =	vadd.s32 $0x111, v16;
	v4 =	vadd.s32 $0x121, v16;
	s5 =	sshll.u32 s4, $0x4  }
0x9: {  	v5 =	vadd.s32 $0x131, v16;
	v6 =	vadd.s32 $0x141, v16;
	v7 =	vadd.s32 $0x151, v16;
	s7 =	ssub.s32 $0x2, s4;
	s4 =	sadd.s32 $0x800, s6;
	s8 =	sor.u32 s3, s5  }
0xa: {  	v8 =	vadd.s32 $0x161, v16;
	v9 =	vadd.s32 $0x171, v16;
	v10 =	vadd.s32 $0x181, v16;
	s9 =	sshrl.u32 s7, $0x1;
	s5 =	sadd.s32 $0xA00, s6;
	s10 =	smul.u32 $0xC400, s8  }
0xb: {  	v11 =	vadd.s32 $0x191, v16;
	v12 =	vadd.s32 $0x1A1, v16;
	v14 =	vadd.s32 $0x1B1, v16;
	s6 =	sadd.s32 $0xC00, s6;
	s9 =	ssub.s32 s7, s9;
	s7 =	smul.u32 $0x31, s8  }
0xc: {  	v15 =	vadd.s32 $0x1C1, v16;
	v16 =	vadd.s32 $0x1D1, v16;
	v0 =	vimm.f32 $0.0e+00;
	s9 =	smax.u32 s9, $0x1;
	s8 =	sadd.s32 s1, s10;
	s10 =	simm.s32 $0x100;
	v13 =	vpop (erf)  }
.LBB2_1:
0xd: {  	[tilespmem:s2], [sflag:$0x1] =	stream.linear.gather [hbm4b:s4+s2], $0x100, $0x38;
	[tilespmem:$0x8380] =	vst v63  }
0xe: {  	_ =	swait.ge [sflag:s13], $0x100  }
0xf: {  	[sflag:s13] =	ssyncset.done $0x0  }
0x10: {  	[sflag:s13] =	ssyncadd.s32 $0xFFFFFF00  }
0x11: {  	[tilespmem:s10], [sflag:$0x1] =	stream.linear.gather [hbm4b:s5+s2], $0x80, $0x38;
	[tilespmem:$0x8380] =	vst v63  }
0x12: {  	_ =	swait.ge [sflag:s13], $0x80  }
0x13: {  	[sflag:s13] =	ssyncset.done $0x0  }
0x14: {  	[sflag:s13] =	ssyncadd.s32 $0xFFFFFF80  }
0x15: {  	v17 =	vld [tilespmem:$0x100]  }
0x16: {  	v18 =	vld [tilespmem:$0x0];
	_ =	sdelay $0x4  }
0x17: {  	v17 =	vmul.f32 $1.442695020e+00, v17;
	(xrf0) =	vmax.scan.msk.f32 $0xffff, v18;
	_ =	sdelay $0x1  }
0x18: {  	(erf) = vpow2.f32 v17;
	_ =	sdelay $0x3  }
0x19: {  	v17, _, _ =	vpop (xrf0)  }
0x1a: {  	v17 =	vbroadcast v17, $0xF;
	_ =	sdelay $0x1  }
0x1b: {  	v17 =	vsub.f32 v18, v17;
	_ =	sdelay $0x1  }
0x1c: {  	v18 =	vpop (erf);
	v17 =	vmul.f32 $1.442695020e+00, v17  }
0x1d: {  	(erf) = vrcp.f32 v18  }
0x1e: {  	(erf) = vpow2.f32 v17;
	_ =	sdelay $0x7  }
0x1f: {  	v17 =	vpop (erf)  }
0x20: {  	v19 =	vpop (erf)  }
0x21: {  	(xrf2) =	vadd.scan.msk.f32 $0xffff, v19;
	_ =	sdelay $0x9  }
0x22: {  	v20, _, _ =	vpop (xrf2)  }
0x23: {  	v20 =	vbroadcast v20, $0xF;
	_ =	sdelay $0x1  }
0x24: {  	(erf) = vrcp.f32 v20;
	_ =	sdelay $0x8  }
0x25: {  	v20 =	vpop (erf)  }
0x26: {  	v19 =	vmul.f32 v20, v19  }
0x27: {  	[tilespmem:$0x180] =	vst v0  }
0x28: {  	[tilespmem:$0x190] =	vst v0;
	(xrf2) =	vadd.scan.msk.f32 $0xffff, v19  }
0x29: {  	[tilespmem:$0x1A0] =	vst v0  }
0x2a: {  	[tilespmem:$0x1B0] =	vst v0  }
0x2b: {  	[tilespmem:$0x1C0] =	vst v0  }
0x2c: {  	[tilespmem:$0x1D0] =	vst v0  }
0x2d: {  	[tilespmem:$0x1E0] =	vst v0  }
0x2e: {  	[tilespmem:$0x1F0] =	vst v0  }
0x2f: {  	[tilespmem:$0x200] =	vst v0  }
0x30: {  	[tilespmem:$0x210] =	vst v0  }
0x31: {  	[tilespmem:$0x220] =	vst v0  }
0x32: {  	[tilespmem:$0x230] =	vst v0;
	v19, _, _ =	vpop (xrf2)  }
0x33: {  	[tilespmem:$0x240] =	vst v0;
	v18 =	vmul.f32 v18, v13;
	v19 =	vadd.f32 $0.0e+00, v19  }
0x34: {  	[tilespmem:$0x250] =	vst v0  }
0x35: {  	[tilespmem:$0x260] =	vst v0;
	v36 =	vmul.f32 v19, v18  }
0x36: {  	[tilespmem:$0x270] =	vst v0  }
0x37: {  	[tilespmem:v1+s11+$0x0] =	vst.idx.msk $0xffff, v36  }
0x38: {  	v20 =	vld [tilespmem:$0x10];
	_ =	sdelay $0x3  }
0x39: {  	(xrf0) =	vmax.scan.msk.f32 $0xffff, v19  }
0x3a: {  	(xrf0) =	vmax.scan.msk.f32 $0xffff, v20;
	_ =	sdelay $0x4  }
0x3b: {  	v19, _, _ =	vpop (xrf0)  }
0x3c: {  	v21, _, _ =	vpop (xrf0)  }
0x3d: {  	v21 =	vbroadcast v21, $0xF;
	_ =	sdelay $0x1  }
0x3e: {  	v20 =	vsub.f32 v20, v21;
	_ =	sdelay $0x1  }
0x3f: {  	v20 =	vmul.f32 $1.442695020e+00, v20;
	_ =	sdelay $0x1  }
0x40: {  	(erf) = vpow2.f32 v20;
	_ =	sdelay $0x8  }
0x41: {  	v20 =	vpop (erf)  }
0x42: {  	(xrf2) =	vadd.scan.msk.f32 $0xffff, v20;
	_ =	sdelay $0x9  }
0x43: {  	v37, _, _ =	vpop (xrf2)  }
0x44: {  	v21 =	vbroadcast v37, $0xF;
	_ =	sdelay $0x1  }
0x45: {  	(erf) = vrcp.f32 v21;
	_ =	sdelay $0x8  }
0x46: {  	v21 =	vpop (erf)  }
0x47: {  	v20 =	vmul.f32 v21, v20;
	_ =	sdelay $0x1  }
0x48: {  	(xrf2) =	vadd.scan.msk.f32 $0xffff, v20;
	_ =	sdelay $0x8  }
0x49: {  	v19 =	vbroadcast v19, $0xF  }
0x4a: {  	v20, _, _ =	vpop (xrf2)  }
0x4b: {  	v19 =	vadd.f32 v19, v20;
	_ =	sdelay $0x1  }
0x4c: {  	v20 =	vmul.f32 v19, v18;
	_ =	sdelay $0x1  }
0x4d: {  	[tilespmem:v2+s11+$0x0] =	vst.idx.msk $0xffff, v20  }
0x4e: {  	v20 =	vld [tilespmem:$0x20];
	_ =	sdelay $0x3  }
0x4f: {  	(xrf0) =	vmax.scan.msk.f32 $0xffff, v19  }
0x50: {  	(xrf0) =	vmax.scan.msk.f32 $0xffff, v20;
	_ =	sdelay $0x4  }
0x51: {  	v19, _, _ =	vpop (xrf0)  }
0x52: {  	v38, _, _ =	vpop (xrf0)  }
0x53: {  	v21 =	vbroadcast v38, $0xF;
	_ =	sdelay $0x1  }
0x54: {  	v20 =	vsub.f32 v20, v21;
	_ =	sdelay $0x1  }
0x55: {  	v20 =	vmul.f32 $1.442695020e+00, v20;
	_ =	sdelay $0x1  }
0x56: {  	(erf) = vpow2.f32 v20;
	_ =	sdelay $0x8  }
0x57: {  	v20 =	vpop (erf)  }
0x58: {  	(xrf2) =	vadd.scan.msk.f32 $0xffff, v20;
	_ =	sdelay $0x9  }
0x59: {  	v39, _, _ =	vpop (xrf2)  }
0x5a: {  	v21 =	vbroadcast v39, $0xF;
	_ =	sdelay $0x1  }
0x5b: {  	(erf) = vrcp.f32 v21;
	_ =	sdelay $0x8  }
0x5c: {  	v21 =	vpop (erf)  }
0x5d: {  	v20 =	vmul.f32 v21, v20;
	_ =	sdelay $0x1  }
0x5e: {  	(xrf2) =	vadd.scan.msk.f32 $0xffff, v20;
	_ =	sdelay $0x8  }
0x5f: {  	v19 =	vbroadcast v19, $0xF  }
0x60: {  	v20, _, _ =	vpop (xrf2)  }
0x61: {  	v19 =	vadd.f32 v19, v20;
	_ =	sdelay $0x1  }
0x62: {  	v20 =	vmul.f32 v19, v18;
	_ =	sdelay $0x1  }
0x63: {  	[tilespmem:v3+s11+$0x0] =	vst.idx.msk $0xffff, v20  }
0x64: {  	v20 =	vld [tilespmem:$0x30];
	_ =	sdelay $0x3  }
0x65: {  	(xrf0) =	vmax.scan.msk.f32 $0xffff, v19  }
0x66: {  	(xrf0) =	vmax.scan.msk.f32 $0xffff, v20;
	_ =	sdelay $0x4  }
0x67: {  	v19, _, _ =	vpop (xrf0)  }
0x68: {  	v40, _, _ =	vpop (xrf0)  }
0x69: {  	v21 =	vbroadcast v40, $0xF;
	_ =	sdelay $0x1  }
0x6a: {  	v20 =	vsub.f32 v20, v21;
	_ =	sdelay $0x1  }
0x6b: {  	v20 =	vmul.f32 $1.442695020e+00, v20;
	_ =	sdelay $0x1  }
0x6c: {  	(erf) = vpow2.f32 v20;
	_ =	sdelay $0x8  }
0x6d: {  	v20 =	vpop (erf)  }
0x6e: {  	(xrf2) =	vadd.scan.msk.f32 $0xffff, v20;
	_ =	sdelay $0x9  }
0x6f: {  	v41, _, _ =	vpop (xrf2)  }
0x70: {  	v21 =	vbroadcast v41, $0xF;
	_ =	sdelay $0x1  }
0x71: {  	(erf) = vrcp.f32 v21;
	_ =	sdelay $0x8  }
0x72: {  	v21 =	vpop (erf)  }
0x73: {  	v20 =	vmul.f32 v21, v20;
	_ =	sdelay $0x1  }
0x74: {  	(xrf2) =	vadd.scan.msk.f32 $0xffff, v20;
	_ =	sdelay $0x8  }
0x75: {  	v19 =	vbroadcast v19, $0xF  }
0x76: {  	v20, _, _ =	vpop (xrf2)  }
0x77: {  	v19 =	vadd.f32 v19, v20;
	_ =	sdelay $0x1  }
0x78: {  	v20 =	vmul.f32 v19, v18;
	_ =	sdelay $0x1  }
0x79: {  	[tilespmem:v4+s11+$0x0] =	vst.idx.msk $0xffff, v20  }
0x7a: {  	v20 =	vld [tilespmem:$0x40];
	_ =	sdelay $0x3  }
0x7b: {  	(xrf0) =	vmax.scan.msk.f32 $0xffff, v19  }
0x7c: {  	(xrf0) =	vmax.scan.msk.f32 $0xffff, v20;
	_ =	sdelay $0x4  }
0x7d: {  	v19, _, _ =	vpop (xrf0)  }
0x7e: {  	v42, _, _ =	vpop (xrf0)  }
0x7f: {  	v21 =	vbroadcast v42, $0xF;
	_ =	sdelay $0x1  }
0x80: {  	v20 =	vsub.f32 v20, v21;
	_ =	sdelay $0x1  }
0x81: {  	v20 =	vmul.f32 $1.442695020e+00, v20;
	_ =	sdelay $0x1  }
0x82: {  	(erf) = vpow2.f32 v20;
	_ =	sdelay $0x8  }
0x83: {  	v20 =	vpop (erf)  }
0x84: {  	(xrf2) =	vadd.scan.msk.f32 $0xffff, v20;
	_ =	sdelay $0x9  }
0x85: {  	v43, _, _ =	vpop (xrf2)  }
0x86: {  	v21 =	vbroadcast v43, $0xF;
	_ =	sdelay $0x1  }
0x87: {  	(erf) = vrcp.f32 v21;
	_ =	sdelay $0x8  }
0x88: {  	v21 =	vpop (erf)  }
0x89: {  	v20 =	vmul.f32 v21, v20;
	_ =	sdelay $0x1  }
0x8a: {  	(xrf2) =	vadd.scan.msk.f32 $0xffff, v20;
	_ =	sdelay $0x8  }
0x8b: {  	v19 =	vbroadcast v19, $0xF  }
0x8c: {  	v20, _, _ =	vpop (xrf2)  }
0x8d: {  	v19 =	vadd.f32 v19, v20;
	_ =	sdelay $0x1  }
0x8e: {  	v20 =	vmul.f32 v19, v18;
	_ =	sdelay $0x1  }
0x8f: {  	[tilespmem:v5+s11+$0x0] =	vst.idx.msk $0xffff, v20  }
0x90: {  	v20 =	vld [tilespmem:$0x50];
	_ =	sdelay $0x3  }
0x91: {  	(xrf0) =	vmax.scan.msk.f32 $0xffff, v19  }
0x92: {  	(xrf0) =	vmax.scan.msk.f32 $0xffff, v20;
	_ =	sdelay $0x4  }
0x93: {  	v19, _, _ =	vpop (xrf0)  }
0x94: {  	v44, _, _ =	vpop (xrf0)  }
0x95: {  	v21 =	vbroadcast v44, $0xF;
	_ =	sdelay $0x1  }
0x96: {  	v20 =	vsub.f32 v20, v21;
	_ =	sdelay $0x1  }
0x97: {  	v20 =	vmul.f32 $1.442695020e+00, v20;
	_ =	sdelay $0x1  }
0x98: {  	(erf) = vpow2.f32 v20;
	_ =	sdelay $0x8  }
0x99: {  	v20 =	vpop (erf)  }
0x9a: {  	(xrf2) =	vadd.scan.msk.f32 $0xffff, v20;
	_ =	sdelay $0x9  }
0x9b: {  	v45, _, _ =	vpop (xrf2)  }
0x9c: {  	v21 =	vbroadcast v45, $0xF;
	_ =	sdelay $0x1  }
0x9d: {  	(erf) = vrcp.f32 v21;
	_ =	sdelay $0x8  }
0x9e: {  	v21 =	vpop (erf)  }
0x9f: {  	v20 =	vmul.f32 v21, v20;
	_ =	sdelay $0x1  }
0xa0: {  	(xrf2) =	vadd.scan.msk.f32 $0xffff, v20;
	_ =	sdelay $0x8  }
0xa1: {  	v19 =	vbroadcast v19, $0xF  }
0xa2: {  	v20, _, _ =	vpop (xrf2)  }
0xa3: {  	v19 =	vadd.f32 v19, v20;
	_ =	sdelay $0x1  }
0xa4: {  	v20 =	vmul.f32 v19, v18;
	_ =	sdelay $0x1  }
0xa5: {  	[tilespmem:v6+s11+$0x0] =	vst.idx.msk $0xffff, v20  }
0xa6: {  	v20 =	vld [tilespmem:$0x60];
	_ =	sdelay $0x3  }
0xa7: {  	(xrf0) =	vmax.scan.msk.f32 $0xffff, v19  }
0xa8: {  	(xrf0) =	vmax.scan.msk.f32 $0xffff, v20;
	_ =	sdelay $0x4  }
0xa9: {  	v19, _, _ =	vpop (xrf0)  }
0xaa: {  	v46, _, _ =	vpop (xrf0)  }
0xab: {  	v21 =	vbroadcast v46, $0xF;
	_ =	sdelay $0x1  }
0xac: {  	v20 =	vsub.f32 v20, v21;
	_ =	sdelay $0x1  }
0xad: {  	v20 =	vmul.f32 $1.442695020e+00, v20;
	_ =	sdelay $0x1  }
0xae: {  	(erf) = vpow2.f32 v20;
	_ =	sdelay $0x8  }
0xaf: {  	v20 =	vpop (erf)  }
0xb0: {  	(xrf2) =	vadd.scan.msk.f32 $0xffff, v20;
	_ =	sdelay $0x9  }
0xb1: {  	v47, _, _ =	vpop (xrf2)  }
0xb2: {  	v21 =	vbroadcast v47, $0xF;
	_ =	sdelay $0x1  }
0xb3: {  	(erf) = vrcp.f32 v21;
	_ =	sdelay $0x8  }
0xb4: {  	v21 =	vpop (erf)  }
0xb5: {  	v20 =	vmul.f32 v21, v20;
	_ =	sdelay $0x1  }
0xb6: {  	(xrf2) =	vadd.scan.msk.f32 $0xffff, v20;
	_ =	sdelay $0x8  }
0xb7: {  	v19 =	vbroadcast v19, $0xF  }
0xb8: {  	v20, _, _ =	vpop (xrf2)  }
0xb9: {  	v19 =	vadd.f32 v19, v20;
	_ =	sdelay $0x1  }
0xba: {  	v20 =	vmul.f32 v19, v18;
	_ =	sdelay $0x1  }
0xbb: {  	[tilespmem:v7+s11+$0x0] =	vst.idx.msk $0xffff, v20  }
0xbc: {  	v20 =	vld [tilespmem:$0x70];
	_ =	sdelay $0x3  }
0xbd: {  	(xrf0) =	vmax.scan.msk.f32 $0xffff, v19  }
0xbe: {  	(xrf0) =	vmax.scan.msk.f32 $0xffff, v20;
	_ =	sdelay $0x4  }
0xbf: {  	v19, _, _ =	vpop (xrf0)  }
0xc0: {  	v48, _, _ =	vpop (xrf0)  }
0xc1: {  	v21 =	vbroadcast v48, $0xF;
	_ =	sdelay $0x1  }
0xc2: {  	v20 =	vsub.f32 v20, v21;
	_ =	sdelay $0x1  }
0xc3: {  	v20 =	vmul.f32 $1.442695020e+00, v20;
	_ =	sdelay $0x1  }
0xc4: {  	(erf) = vpow2.f32 v20;
	_ =	sdelay $0x8  }
0xc5: {  	v20 =	vpop (erf)  }
0xc6: {  	(xrf2) =	vadd.scan.msk.f32 $0xffff, v20;
	_ =	sdelay $0x9  }
0xc7: {  	v49, _, _ =	vpop (xrf2)  }
0xc8: {  	v21 =	vbroadcast v49, $0xF;
	_ =	sdelay $0x1  }
0xc9: {  	(erf) = vrcp.f32 v21;
	_ =	sdelay $0x8  }
0xca: {  	v21 =	vpop (erf)  }
0xcb: {  	v20 =	vmul.f32 v21, v20;
	_ =	sdelay $0x1  }
0xcc: {  	(xrf2) =	vadd.scan.msk.f32 $0xffff, v20;
	_ =	sdelay $0x8  }
0xcd: {  	v19 =	vbroadcast v19, $0xF  }
0xce: {  	v20, _, _ =	vpop (xrf2)  }
0xcf: {  	v19 =	vadd.f32 v19, v20;
	_ =	sdelay $0x1  }
0xd0: {  	v20 =	vmul.f32 v19, v18;
	_ =	sdelay $0x1  }
0xd1: {  	[tilespmem:v8+s11+$0x0] =	vst.idx.msk $0xffff, v20  }
0xd2: {  	v20 =	vld [tilespmem:$0x80];
	_ =	sdelay $0x3  }
0xd3: {  	(xrf0) =	vmax.scan.msk.f32 $0xffff, v19  }
0xd4: {  	(xrf0) =	vmax.scan.msk.f32 $0xffff, v20;
	_ =	sdelay $0x4  }
0xd5: {  	v19, _, _ =	vpop (xrf0)  }
0xd6: {  	v50, _, _ =	vpop (xrf0)  }
0xd7: {  	v21 =	vbroadcast v50, $0xF;
	_ =	sdelay $0x1  }
0xd8: {  	v20 =	vsub.f32 v20, v21;
	_ =	sdelay $0x1  }
0xd9: {  	v20 =	vmul.f32 $1.442695020e+00, v20;
	_ =	sdelay $0x1  }
0xda: {  	(erf) = vpow2.f32 v20;
	_ =	sdelay $0x8  }
0xdb: {  	v20 =	vpop (erf)  }
0xdc: {  	(xrf2) =	vadd.scan.msk.f32 $0xffff, v20;
	_ =	sdelay $0x9  }
0xdd: {  	v51, _, _ =	vpop (xrf2)  }
0xde: {  	v21 =	vbroadcast v51, $0xF;
	_ =	sdelay $0x1  }
0xdf: {  	(erf) = vrcp.f32 v21;
	_ =	sdelay $0x8  }
0xe0: {  	v21 =	vpop (erf)  }
0xe1: {  	v20 =	vmul.f32 v21, v20;
	_ =	sdelay $0x1  }
0xe2: {  	(xrf2) =	vadd.scan.msk.f32 $0xffff, v20;
	_ =	sdelay $0x8  }
0xe3: {  	v19 =	vbroadcast v19, $0xF  }
0xe4: {  	v20, _, _ =	vpop (xrf2)  }
0xe5: {  	v19 =	vadd.f32 v19, v20;
	_ =	sdelay $0x1  }
0xe6: {  	v20 =	vmul.f32 v19, v18;
	_ =	sdelay $0x1  }
0xe7: {  	[tilespmem:v9+s11+$0x0] =	vst.idx.msk $0xffff, v20  }
0xe8: {  	v20 =	vld [tilespmem:$0x90];
	_ =	sdelay $0x3  }
0xe9: {  	(xrf0) =	vmax.scan.msk.f32 $0xffff, v19  }
0xea: {  	(xrf0) =	vmax.scan.msk.f32 $0xffff, v20;
	_ =	sdelay $0x4  }
0xeb: {  	v19, _, _ =	vpop (xrf0)  }
0xec: {  	v52, _, _ =	vpop (xrf0)  }
0xed: {  	v21 =	vbroadcast v52, $0xF;
	_ =	sdelay $0x1  }
0xee: {  	v20 =	vsub.f32 v20, v21;
	_ =	sdelay $0x1  }
0xef: {  	v20 =	vmul.f32 $1.442695020e+00, v20;
	_ =	sdelay $0x1  }
0xf0: {  	(erf) = vpow2.f32 v20;
	_ =	sdelay $0x8  }
0xf1: {  	v20 =	vpop (erf)  }
0xf2: {  	(xrf2) =	vadd.scan.msk.f32 $0xffff, v20;
	_ =	sdelay $0x9  }
0xf3: {  	v53, _, _ =	vpop (xrf2)  }
0xf4: {  	v21 =	vbroadcast v53, $0xF;
	_ =	sdelay $0x1  }
0xf5: {  	(erf) = vrcp.f32 v21;
	_ =	sdelay $0x8  }
0xf6: {  	v21 =	vpop (erf)  }
0xf7: {  	v20 =	vmul.f32 v21, v20;
	_ =	sdelay $0x1  }
0xf8: {  	(xrf2) =	vadd.scan.msk.f32 $0xffff, v20;
	_ =	sdelay $0x8  }
0xf9: {  	v19 =	vbroadcast v19, $0xF  }
0xfa: {  	v20, _, _ =	vpop (xrf2)  }
0xfb: {  	v19 =	vadd.f32 v19, v20;
	_ =	sdelay $0x1  }
0xfc: {  	v20 =	vmul.f32 v19, v18;
	_ =	sdelay $0x1  }
0xfd: {  	[tilespmem:v10+s11+$0x0] =	vst.idx.msk $0xffff, v20  }
0xfe: {  	v20 =	vld [tilespmem:$0xA0];
	_ =	sdelay $0x3  }
0xff: {  	(xrf0) =	vmax.scan.msk.f32 $0xffff, v19  }
0x100: {  	(xrf0) =	vmax.scan.msk.f32 $0xffff, v20;
	_ =	sdelay $0x4  }
0x101: {  	v19, _, _ =	vpop (xrf0)  }
0x102: {  	v54, _, _ =	vpop (xrf0)  }
0x103: {  	v21 =	vbroadcast v54, $0xF;
	_ =	sdelay $0x1  }
0x104: {  	v20 =	vsub.f32 v20, v21;
	_ =	sdelay $0x1  }
0x105: {  	v20 =	vmul.f32 $1.442695020e+00, v20;
	_ =	sdelay $0x1  }
0x106: {  	(erf) = vpow2.f32 v20;
	_ =	sdelay $0x8  }
0x107: {  	v20 =	vpop (erf)  }
0x108: {  	(xrf2) =	vadd.scan.msk.f32 $0xffff, v20;
	_ =	sdelay $0x9  }
0x109: {  	v55, _, _ =	vpop (xrf2)  }
0x10a: {  	v21 =	vbroadcast v55, $0xF;
	_ =	sdelay $0x1  }
0x10b: {  	(erf) = vrcp.f32 v21;
	_ =	sdelay $0x8  }
0x10c: {  	v21 =	vpop (erf)  }
0x10d: {  	v20 =	vmul.f32 v21, v20;
	_ =	sdelay $0x1  }
0x10e: {  	(xrf2) =	vadd.scan.msk.f32 $0xffff, v20;
	_ =	sdelay $0x8  }
0x10f: {  	v19 =	vbroadcast v19, $0xF  }
0x110: {  	v20, _, _ =	vpop (xrf2)  }
0x111: {  	v19 =	vadd.f32 v19, v20;
	_ =	sdelay $0x1  }
0x112: {  	v20 =	vmul.f32 v19, v18;
	_ =	sdelay $0x1  }
0x113: {  	[tilespmem:v11+s11+$0x0] =	vst.idx.msk $0xffff, v20  }
0x114: {  	v20 =	vld [tilespmem:$0xB0];
	_ =	sdelay $0x3  }
0x115: {  	(xrf0) =	vmax.scan.msk.f32 $0xffff, v19  }
0x116: {  	(xrf0) =	vmax.scan.msk.f32 $0xffff, v20;
	_ =	sdelay $0x4  }
0x117: {  	v19, _, _ =	vpop (xrf0)  }
0x118: {  	v56, _, _ =	vpop (xrf0)  }
0x119: {  	v21 =	vbroadcast v56, $0xF;
	_ =	sdelay $0x1  }
0x11a: {  	v20 =	vsub.f32 v20, v21;
	_ =	sdelay $0x1  }
0x11b: {  	v20 =	vmul.f32 $1.442695020e+00, v20;
	_ =	sdelay $0x1  }
0x11c: {  	(erf) = vpow2.f32 v20;
	_ =	sdelay $0x8  }
0x11d: {  	v20 =	vpop (erf)  }
0x11e: {  	(xrf2) =	vadd.scan.msk.f32 $0xffff, v20;
	_ =	sdelay $0x9  }
0x11f: {  	v57, _, _ =	vpop (xrf2)  }
0x120: {  	v21 =	vbroadcast v57, $0xF;
	_ =	sdelay $0x1  }
0x121: {  	(erf) = vrcp.f32 v21;
	_ =	sdelay $0x8  }
0x122: {  	v21 =	vpop (erf)  }
0x123: {  	v20 =	vmul.f32 v21, v20;
	_ =	sdelay $0x1  }
0x124: {  	(xrf2) =	vadd.scan.msk.f32 $0xffff, v20;
	_ =	sdelay $0x8  }
0x125: {  	v19 =	vbroadcast v19, $0xF  }
0x126: {  	v20, _, _ =	vpop (xrf2)  }
0x127: {  	v19 =	vadd.f32 v19, v20;
	_ =	sdelay $0x1  }
0x128: {  	v20 =	vmul.f32 v19, v18;
	_ =	sdelay $0x1  }
0x129: {  	[tilespmem:v12+s11+$0x0] =	vst.idx.msk $0xffff, v20  }
0x12a: {  	v20 =	vld [tilespmem:$0xC0];
	_ =	sdelay $0x3  }
0x12b: {  	(xrf0) =	vmax.scan.msk.f32 $0xffff, v19  }
0x12c: {  	(xrf0) =	vmax.scan.msk.f32 $0xffff, v20;
	_ =	sdelay $0x4  }
0x12d: {  	v19, _, _ =	vpop (xrf0)  }
0x12e: {  	v58, _, _ =	vpop (xrf0)  }
0x12f: {  	v21 =	vbroadcast v58, $0xF;
	_ =	sdelay $0x1  }
0x130: {  	v20 =	vsub.f32 v20, v21;
	_ =	sdelay $0x1  }
0x131: {  	v20 =	vmul.f32 $1.442695020e+00, v20;
	_ =	sdelay $0x1  }
0x132: {  	(erf) = vpow2.f32 v20;
	_ =	sdelay $0x8  }
0x133: {  	v20 =	vpop (erf)  }
0x134: {  	(xrf2) =	vadd.scan.msk.f32 $0xffff, v20;
	_ =	sdelay $0x9  }
0x135: {  	v59, _, _ =	vpop (xrf2)  }
0x136: {  	v21 =	vbroadcast v59, $0xF;
	_ =	sdelay $0x1  }
0x137: {  	(erf) = vrcp.f32 v21;
	_ =	sdelay $0x8  }
0x138: {  	v21 =	vpop (erf)  }
0x139: {  	v20 =	vmul.f32 v21, v20;
	_ =	sdelay $0x1  }
0x13a: {  	(xrf2) =	vadd.scan.msk.f32 $0xffff, v20;
	_ =	sdelay $0x8  }
0x13b: {  	v19 =	vbroadcast v19, $0xF  }
0x13c: {  	v20, _, _ =	vpop (xrf2)  }
0x13d: {  	v19 =	vadd.f32 v19, v20;
	_ =	sdelay $0x1  }
0x13e: {  	v20 =	vmul.f32 v19, v18;
	_ =	sdelay $0x1  }
0x13f: {  	[tilespmem:v14+s11+$0x0] =	vst.idx.msk $0xffff, v20  }
0x140: {  	v20 =	vld [tilespmem:$0xD0];
	_ =	sdelay $0x3  }
0x141: {  	(xrf0) =	vmax.scan.msk.f32 $0xffff, v19  }
0x142: {  	(xrf0) =	vmax.scan.msk.f32 $0xffff, v20;
	_ =	sdelay $0x4  }
0x143: {  	v19, _, _ =	vpop (xrf0)  }
0x144: {  	v60, _, _ =	vpop (xrf0)  }
0x145: {  	v21 =	vbroadcast v60, $0xF;
	_ =	sdelay $0x1  }
0x146: {  	v20 =	vsub.f32 v20, v21;
	_ =	sdelay $0x1  }
0x147: {  	v20 =	vmul.f32 $1.442695020e+00, v20;
	_ =	sdelay $0x1  }
0x148: {  	(erf) = vpow2.f32 v20;
	_ =	sdelay $0x8  }
0x149: {  	v20 =	vpop (erf)  }
0x14a: {  	(xrf2) =	vadd.scan.msk.f32 $0xffff, v20;
	_ =	sdelay $0x9  }
0x14b: {  	v61, _, _ =	vpop (xrf2)  }
0x14c: {  	v21 =	vbroadcast v61, $0xF;
	_ =	sdelay $0x1  }
0x14d: {  	(erf) = vrcp.f32 v21;
	_ =	sdelay $0x8  }
0x14e: {  	v21 =	vpop (erf)  }
0x14f: {  	v20 =	vmul.f32 v21, v20;
	_ =	sdelay $0x1  }
0x150: {  	(xrf2) =	vadd.scan.msk.f32 $0xffff, v20;
	_ =	sdelay $0x8  }
0x151: {  	v19 =	vbroadcast v19, $0xF  }
0x152: {  	v20, _, _ =	vpop (xrf2)  }
0x153: {  	v19 =	vadd.f32 v19, v20;
	_ =	sdelay $0x1  }
0x154: {  	v20 =	vmul.f32 v19, v18;
	_ =	sdelay $0x1  }
0x155: {  	[tilespmem:v15+s11+$0x0] =	vst.idx.msk $0xffff, v20  }
0x156: {  	v20 =	vld [tilespmem:$0xE0];
	_ =	sdelay $0x3  }
0x157: {  	(xrf0) =	vmax.scan.msk.f32 $0xffff, v19  }
0x158: {  	(xrf0) =	vmax.scan.msk.f32 $0xffff, v20;
	_ =	sdelay $0x4  }
0x159: {  	v19, _, _ =	vpop (xrf0)  }
0x15a: {  	v62, _, _ =	vpop (xrf0)  }
0x15b: {  	v21 =	vbroadcast v62, $0xF;
	_ =	sdelay $0x1  }
0x15c: {  	v20 =	vsub.f32 v20, v21;
	_ =	sdelay $0x1  }
0x15d: {  	v20 =	vmul.f32 $1.442695020e+00, v20;
	_ =	sdelay $0x1  }
0x15e: {  	(erf) = vpow2.f32 v20;
	_ =	sdelay $0x8  }
0x15f: {  	v20 =	vpop (erf)  }
0x160: {  	(xrf2) =	vadd.scan.msk.f32 $0xffff, v20;
	_ =	sdelay $0x9  }
0x161: {  	v63, _, _ =	vpop (xrf2)  }
0x162: {  	v21 =	vbroadcast v63, $0xF;
	_ =	sdelay $0x1  }
0x163: {  	(erf) = vrcp.f32 v21;
	_ =	sdelay $0x8  }
0x164: {  	v21 =	vpop (erf)  }
0x165: {  	v20 =	vmul.f32 v21, v20;
	_ =	sdelay $0x1  }
0x166: {  	(xrf2) =	vadd.scan.msk.f32 $0xffff, v20;
	_ =	sdelay $0x8  }
0x167: {  	v19 =	vbroadcast v19, $0xF  }
0x168: {  	v20, _, _ =	vpop (xrf2)  }
0x169: {  	v19 =	vadd.f32 v19, v20;
	_ =	sdelay $0x1  }
0x16a: {  	v18 =	vmul.f32 v19, v18;
	_ =	sdelay $0x1  }
0x16b: {  	s16 =	simm.s32 $0x0;
	s17 =	simm.s32 $0x0;
	[tilespmem:v16+s11+$0x0] =	vst.idx.msk $0xffff, v18  }
0x16c: {  	s18 =	simm.s32 $0x0;
	s19 =	simm.s32 $0x0;
	_ =	strace $0x80000048  }
0x16d: {  	[tilespmem:s12], [sflag:$0x1] =	stream.linear.gather [hbm4b:s8+s2], $0x2000, $0x200038;
	[tilespmem:$0x8380] =	vst v63  }
0x16e: {  	s20 =	simm.s32 $0x1;
	s21 =	simm.s32 $0x0;
	v17 =	vmul.f32 $2.400000000e+02, v17;
	_ =	strace $0x90000048  }
.LBB2_2:
0x16f: {  	s23 =	smov.u32 s16;
	s16 =	sadd.s32 $0x1, s16  }
0x170: {  	p0 =	seq.s32 s16, $0x31  }
0x171: {  	s16 =	simm.s32 @p0 $0x0  }
0x172: {  	p6 =	sne.s32 s21, $0x30;
	p1 =	sne.s32 s23, s16  }
0x173: {  	p0 =	por !p6, !p1  }
0x174: {  	p0 =	por !p0, !p0  }
0x175: {  	s24 =	sadd.s32 @p0 s7, s16  }
0x176: {  	s22 =	sand.u32 @p0 $0x1, s20;
	_ =	strace @p0 $0x80000049;
	s24 =	sshll.u32 @p0 s24, $0xA  }
0x177: {  	s26 =	simm.s32 @p0 $0x0;
	s25 =	sshll.u32 @p0 s22, $0xD;
	s24 =	sand.u32 @p0 $0x1FFFFC00, s24  }
0x178: {  	s22 =	sadd.s32 @p0 $0x1, s22;
	s25 =	sor.u32 @p0 $0x380, s25;
	s24 =	sadd.s32 @p0 s1, s24  }
0x179: {  	[tilespmem:s25], [sflag:s22] =	stream.linear.gather @p0 [hbm4b:s24+s26], $0x2000, $0x200038;
	[tilespmem:$0x8380] =	vst v63  }
0x17a: {  	s26 =	sand.u32 $0x1, s19;
	_ =	strace @p0 $0x90000049  }
0x17b: {  	s30 =	sadd.s32 $0x1, s26;
	_ =	strace $0x8000004A  }
0x17c: {  	_ =	swait.ge [sflag:s30], $0x2000  }
0x17d: {  	[sflag:s30] =	ssyncset.done $0x0  }
0x17e: {  	[sflag:s30] =	ssyncadd.s32 $0xFFFFE000  }
0x17f: {  	s22 =	sshll.u32 s26, $0xD;
	_ =	strace $0x9000004A  }
0x180: {  	s22 =	sor.u32 $0x3C0, s22;
	_ =	strace $0x8000004B  }
0x181: {  	v18 =	vld [tilespmem:s22+$0xFFFFFFC0]  }
0x182: {  	v19 =	vld [tilespmem:s22+$0x30]  }
0x183: {  	v20 =	vld [tilespmem:s22+$0xFFFFFFD0]  }
0x184: {  	v21 =	vld [tilespmem:s22+$0x20]  }
0x185: {  	v22 =	vld [tilespmem:s22+$0xFFFFFFE0]  }
0x186: {  	v23 =	vld [tilespmem:s22+$0xFFFFFFF0]  }
0x187: {  	v24 =	vld [tilespmem:s22+$0x0]  }
0x188: {  	s31 =	sadd.s32 $0x80, s22;
	v25 =	vld [tilespmem:s22+$0x10]  }
0x189: {  	v26 =	vld [tilespmem:s31+$0xFFFFFFC0]  }
0x18a: {  	v27 =	vld [tilespmem:s31+$0x30]  }
0x18b: {  	v28 =	vld [tilespmem:s31+$0xFFFFFFD0]  }
0x18c: {  	v29 =	vld [tilespmem:s31+$0x20];
	v18 =	vmul.f32 v18, v17  }
0x18d: {  	v33 =	vld [tilespmem:s31+$0x0];
	v19 =	vmul.f32 v19, v17;
	v20 =	vmul.f32 v20, v17  }
0x18e: {  	v21 =	vmul.f32 v21, v17;
	v23 =	vmul.f32 v23, v17  }
0x18f: {  	v22 =	vmul.f32 v22, v17;
	v24 =	vmul.f32 v24, v17  }
0x190: {  	v26 =	vmul.f32 v26, v17;
	v27 =	vmul.f32 v27, v17  }
0x191: {  	v25 =	vmul.f32 v25, v17;
	v28 =	vmul.f32 v28, v17  }
0x192: {  	v29 =	vmul.f32 v29, v17;
	v33 =	vmul.f32 v33, v17;
	v18 =	vmax.f32 v18, $-2.400000000e+02  }
0x193: {  	v19 =	vmax.f32 v19, $-2.400000000e+02;
	v20 =	vmax.f32 v20, $-2.400000000e+02;
	v23 =	vmax.f32 v23, $-2.400000000e+02  }
0x194: {  	v22 =	vmax.f32 v22, $-2.400000000e+02;
	v21 =	vmax.f32 v21, $-2.400000000e+02;
	v20 =	vmin.f32 v20, $2.400000000e+02  }
0x195: {  	v24 =	vmax.f32 v24, $-2.400000000e+02;
	v26 =	vmax.f32 v26, $-2.400000000e+02;
	v20 =	vadd.f32 $1.258315200e+07, v20  }
0x196: {  	v25 =	vmax.f32 v25, $-2.400000000e+02;
	v18 =	vmin.f32 v18, $2.400000000e+02;
	v19 =	vmin.f32 v19, $2.400000000e+02  }
0x197: {  	v22 =	vmin.f32 v22, $2.400000000e+02;
	v21 =	vmin.f32 v21, $2.400000000e+02;
	v20 =	vadd.f32 $-1.258291200e+07, v20  }
0x198: {  	v24 =	vmin.f32 v24, $2.400000000e+02;
	v23 =	vmin.f32 v23, $2.400000000e+02;
	v18 =	vadd.f32 $1.258315200e+07, v18  }
0x199: {  	v22 =	vadd.f32 $1.258315200e+07, v22;
	v23 =	vadd.f32 $1.258315200e+07, v23;
	v20 =	vtrunc.f32 v20  }
0x19a: {  	v21 =	vadd.f32 $1.258315200e+07, v21;
	v18 =	vadd.f32 $-1.258291200e+07, v18;
	v20 =	vcvt.f32.s32 v20  }
0x19b: {  	v30 =	vld [tilespmem:s31+$0xFFFFFFF0];
	v25 =	vmin.f32 v25, $2.400000000e+02;
	v22 =	vadd.f32 $-1.258291200e+07, v22;
	v23 =	vadd.f32 $-1.258291200e+07, v23  }
0x19c: {  	v32 =	vld [tilespmem:s31+$0xFFFFFFE0];
	v24 =	vadd.f32 $1.258315200e+07, v24;
	v21 =	vadd.f32 $-1.258291200e+07, v21;
	v18 =	vtrunc.f32 v18  }
0x19d: {  	v19 =	vadd.f32 $1.258315200e+07, v19;
	v22 =	vtrunc.f32 v22;
	v23 =	vtrunc.f32 v23  }
0x19e: {  	v24 =	vadd.f32 $-1.258291200e+07, v24;
	v31 =	vtrunc.f32 v21;
	v34 =	vcvt.f32.s32 v23  }
0x19f: {  	v21 =	vmin.f32 v26, $2.400000000e+02;
	v26 =	vmax.f32 v27, $-2.400000000e+02;
	v35 =	vcvt.f32.s32 v18  }
0x1a0: {  	v27 =	vmax.f32 v28, $-2.400000000e+02;
	v28 =	vmul.f32 v30, v17;
	v23 =	vcvt.f32.s32 v22;
	v20 =	vld.idx.msk [tilespmem:v20+s11+$0x0], $0xffff  }
0x1a1: {  	v19 =	vadd.f32 $-1.258291200e+07, v19;
	v30 =	vmul.f32 v32, v17;
	v22 =	vcvt.f32.s32 v31  }
0x1a2: {  	s22 =	sand.u32 $0x1, s18;
	v36 =	vtrunc.f32 v24;
	v32 =	vadd.f32 $1.258315200e+07, v25;
	v26 =	vmin.f32 v26, $2.400000000e+02  }
0x1a3: {  	s28 =	sshll.u32 s22, $0xD;
	v18 =	vadd.f32 $1.258315200e+07, v26;
	v26 =	vmax.f32 v28, $-2.400000000e+02;
	v28 =	vtrunc.f32 v19;
	v19 =	vld [tilespmem:s31+$0x10]  }
0x1a4: {  	s24 =	sadd.s32 s7, s23;
	s29 =	sadd.s32 $0x80, s31;
	s25 =	sor.u32 $0x43C0, s28;
	v27 =	vmin.f32 v27, $2.400000000e+02;
	v31 =	vmax.f32 v30, $-2.400000000e+02;
	v30 =	vmax.f32 v29, $-2.400000000e+02;
	v24 =	vld.idx.msk [tilespmem:v34+s11+$0x0], $0xffff  }
0x1a5: {  	s23 =	sor.u32 $0x4380, s28;
	s28 =	simm.s32 $0x80;
	s26 =	smov.u32 s25;
	v29 =	vmax.f32 v33, $-2.400000000e+02;
	v30 =	vmin.f32 v30, $2.400000000e+02;
	v25 =	vld.idx.msk [tilespmem:v35+s11+$0x0], $0xffff;
	[tilespmem:s25+$0xFFFFFFD0] =	vst v20;
	v20 =	vcvt.f32.s32 v36  }
.LBB2_3:
0x1a6: {  	s28 =	sadd.s32 $0x80, s28;
	v27 =	vadd.f32 $1.258315200e+07, v27;
	v31 =	vmin.f32 v31, $2.400000000e+02;
	v23 =	vld.idx.msk [tilespmem:v23+s11+$0x0], $0xffff;
	v32 =	vadd.f32 $-1.258291200e+07, v32;
	s25 =	sadd.s32 $0x80, s25  }
0x1a7: {  	v21 =	vadd.f32 $1.258315200e+07, v21;
	v28 =	vcvt.f32.s32 v28;
	p2 =	slt.u32 s28, $0x1F80;
	v31 =	vadd.f32 $1.258315200e+07, v31;
	v22 =	vld.idx.msk [tilespmem:v22+s11+$0x0], $0xffff  }
0x1a8: {  	v26 =	vmin.f32 v26, $2.400000000e+02;
	v33 =	vld [tilespmem:s29+$0xFFFFFFC0];
	v27 =	vadd.f32 $-1.258291200e+07, v27;
	v32 =	vtrunc.f32 v32  }
0x1a9: {  	v29 =	vmin.f32 v29, $2.400000000e+02;
	v30 =	vadd.f32 $1.258315200e+07, v30;
	v34 =	vld [tilespmem:s29+$0x30];
	v32 =	vcvt.f32.s32 v32  }
0x1aa: {  	v29 =	vadd.f32 $1.258315200e+07, v29;
	v21 =	vadd.f32 $-1.258291200e+07, v21;
	v35 =	vld [tilespmem:s29+$0xFFFFFFD0];
	v27 =	vtrunc.f32 v27;
	[tilespmem:s26+$0xFFFFFFF0] =	vst v24  }
0x1ab: {  	v26 =	vadd.f32 $1.258315200e+07, v26;
	v31 =	vadd.f32 $-1.258291200e+07, v31;
	v24 =	vld [tilespmem:s29+$0x20];
	v27 =	vcvt.f32.s32 v27;
	[tilespmem:s26+$0xFFFFFFC0] =	vst v25  }
0x1ac: {  	v36 =	vtrunc.f32 v21;
	v21 =	vadd.f32 $-1.258291200e+07, v30;
	v25 =	vld [tilespmem:s29+$0xFFFFFFE0];
	[tilespmem:s26+$0xFFFFFFE0] =	vst v23  }
0x1ad: {  	v26 =	vadd.f32 $-1.258291200e+07, v26;
	v30 =	vtrunc.f32 v31;
	v23 =	vmul.f32 v33, v17;
	v28 =	vld.idx.msk [tilespmem:v28+s11+$0x0], $0xffff  }
0x1ae: {  	v19 =	vmul.f32 v19, v17;
	v29 =	vadd.f32 $-1.258291200e+07, v29;
	v31 =	vld [tilespmem:s29+$0xFFFFFFF0];
	v33 =	vmul.f32 v34, v17;
	[tilespmem:s26+$0x20] =	vst v22  }
0x1af: {  	v22 =	vmax.f32 v23, $-2.400000000e+02;
	v23 =	vmul.f32 v35, v17;
	v34 =	vld [tilespmem:s29+$0x0];
	v35 =	vtrunc.f32 v21  }
0x1b0: {  	v26 =	vtrunc.f32 v26;
	v21 =	vmin.f32 v22, $2.400000000e+02;
	v22 =	vmax.f32 v33, $-2.400000000e+02;
	v20 =	vld.idx.msk [tilespmem:v20+s11+$0x0], $0xffff  }
0x1b1: {  	v37 =	vcvt.f32.s32 v26;
	v23 =	vmax.f32 v23, $-2.400000000e+02;
	v22 =	vmin.f32 v22, $2.400000000e+02;
	v33 =	vld.idx.msk [tilespmem:v27+s11+$0x0], $0xffff  }
0x1b2: {  	v38 =	vadd.f32 $-1.258291200e+07, v18;
	v36 =	vcvt.f32.s32 v36;
	v24 =	vmul.f32 v24, v17;
	v39 =	vld.idx.msk [tilespmem:v32+s11+$0x0], $0xffff  }
0x1b3: {  	v27 =	vmin.f32 v23, $2.400000000e+02;
	v23 =	vcvt.f32.s32 v30;
	v26 =	vmul.f32 v31, v17;
	[tilespmem:s26+$0x30] =	vst v28  }
.Ltmp0:
0x1b4: {  	v18 =	vadd.f32 $1.258315200e+07, v22;
	v30 =	vmax.f32 v19, $-2.400000000e+02;
	v22 =	vcvt.f32.s32 v35;
	(pc) =	sbr.rel @p2 .LBB2_3-.Ltmp0, $4  }
0x1b5: {  	v25 =	vmul.f32 v25, v17;
	v28 =	vtrunc.f32 v38;
	v26 =	vmax.f32 v26, $-2.400000000e+02  }
0x1b6: {  	v35 =	vtrunc.f32 v29;
	v29 =	vmin.f32 v30, $2.400000000e+02;
	v34 =	vmul.f32 v34, v17;
	v19 =	vld [tilespmem:s29+$0x10];
	[tilespmem:s26+$0x0] =	vst v20  }
0x1b7: {  	v31 =	vmax.f32 v25, $-2.400000000e+02;
	v32 =	vadd.f32 $1.258315200e+07, v29;
	v20 =	vmax.f32 v24, $-2.400000000e+02;
	[tilespmem:s25+$0xFFFFFFD0] =	vst v33;
	v24 =	vld.idx.msk [tilespmem:v37+s11+$0x0], $0xffff  }
0x1b8: {  	v29 =	vmax.f32 v34, $-2.400000000e+02;
	s29 =	sadd.s32 $0x80, s29;
	v30 =	vmin.f32 v20, $2.400000000e+02;
	v20 =	vcvt.f32.s32 v35;
	v25 =	vld.idx.msk [tilespmem:v36+s11+$0x0], $0xffff;
	[tilespmem:s26+$0x10] =	vst v39;
	s26 =	smov.u32 s25  }
0x1b9: {  	v27 =	vadd.f32 $1.258315200e+07, v27;
	v31 =	vmin.f32 v31, $2.400000000e+02;
	v32 =	vadd.f32 $-1.258291200e+07, v32  }
0x1ba: {  	v21 =	vadd.f32 $1.258315200e+07, v21;
	v26 =	vmin.f32 v26, $2.400000000e+02;
	v30 =	vadd.f32 $1.258315200e+07, v30  }
0x1bb: {  	v29 =	vmin.f32 v29, $2.400000000e+02;
	v18 =	vadd.f32 $-1.258291200e+07, v18;
	v31 =	vadd.f32 $1.258315200e+07, v31  }
0x1bc: {  	v28 =	vcvt.f32.s32 v28;
	v26 =	vadd.f32 $1.258315200e+07, v26;
	v29 =	vadd.f32 $1.258315200e+07, v29  }
0x1bd: {  	v27 =	vadd.f32 $-1.258291200e+07, v27;
	v32 =	vtrunc.f32 v32;
	v19 =	vmul.f32 v19, v17  }
0x1be: {  	v21 =	vadd.f32 $-1.258291200e+07, v21;
	v18 =	vtrunc.f32 v18;
	v32 =	vcvt.f32.s32 v32  }
0x1bf: {  	v30 =	vadd.f32 $-1.258291200e+07, v30;
	v18 =	vcvt.f32.s32 v18;
	v27 =	vtrunc.f32 v27  }
0x1c0: {  	v23 =	vld.idx.msk [tilespmem:v23+s11+$0x0], $0xffff;
	v26 =	vadd.f32 $-1.258291200e+07, v26;
	v19 =	vmax.f32 v19, $-2.400000000e+02;
	v27 =	vcvt.f32.s32 v27  }
0x1c1: {  	v22 =	vld.idx.msk [tilespmem:v22+s11+$0x0], $0xffff;
	v31 =	vadd.f32 $-1.258291200e+07, v31;
	v21 =	vtrunc.f32 v21;
	v19 =	vmin.f32 v19, $2.400000000e+02  }
0x1c2: {  	v20 =	vld.idx.msk [tilespmem:v20+s11+$0x0], $0xffff;
	v30 =	vtrunc.f32 v30;
	v21 =	vcvt.f32.s32 v21;
	v19 =	vadd.f32 $1.258315200e+07, v19  }
0x1c3: {  	v29 =	vadd.f32 $-1.258291200e+07, v29;
	v26 =	vtrunc.f32 v26;
	v57 =	vcvt.f32.s32 v30;
	v28 =	vld.idx.msk [tilespmem:v28+s11+$0x0], $0xffff  }
0x1c4: {  	[tilespmem:s26+$0xFFFFFFF0] =	vst v24;
	v31 =	vtrunc.f32 v31;
	v26 =	vcvt.f32.s32 v26;
	v19 =	vadd.f32 $-1.258291200e+07, v19;
	v60 =	vld.idx.msk [tilespmem:v32+s11+$0x0], $0xffff  }
0x1c5: {  	[tilespmem:s26+$0xFFFFFFC0] =	vst v25;
	v59 =	vtrunc.f32 v29;
	v31 =	vcvt.f32.s32 v31;
	v18 =	vld.idx.msk [tilespmem:v18+s11+$0x0], $0xffff  }
0x1c6: {  	[tilespmem:s26+$0xFFFFFFE0] =	vst v23;
	v19 =	vtrunc.f32 v19;
	v58 =	vld.idx.msk [tilespmem:v27+s11+$0x0], $0xffff;
	v27 =	vcvt.f32.s32 v59  }
0x1c7: {  	[tilespmem:s26+$0x20] =	vst v22;
	v19 =	vcvt.f32.s32 v19  }
0x1c8: {  	[tilespmem:s26+$0x0] =	vst v20;
	v21 =	vld.idx.msk [tilespmem:v21+s11+$0x0], $0xffff  }
0x1c9: {  	[tilespmem:s26+$0x30] =	vst v28;
	v24 =	vld.idx.msk [tilespmem:v57+s11+$0x0], $0xffff  }
0x1ca: {  	s25 =	sadd.s32 $0x80, s25;
	v61 =	vld.idx.msk [tilespmem:v26+s11+$0x0], $0xffff;
	[tilespmem:s26+$0x10] =	vst v60  }
0x1cb: {  	v62 =	vld.idx.msk [tilespmem:v31+s11+$0x0], $0xffff;
	[tilespmem:s25+$0x30] =	vst v18  }
0x1cc: {  	[tilespmem:s25+$0xFFFFFFD0] =	vst v58;
	v63 =	vld.idx.msk [tilespmem:v27+s11+$0x0], $0xffff  }
0x1cd: {  	[tilespmem:s25+$0xFFFFFFC0] =	vst v21;
	v19 =	vld.idx.msk [tilespmem:v19+s11+$0x0], $0xffff  }
0x1ce: {  	p2 =	seq.s32 s21, $0x30;
	[tilespmem:s25+$0x20] =	vst v24  }
0x1cf: {  	p1 =	por p2, p1;
	[tilespmem:s25+$0xFFFFFFF0] =	vst v61  }
0x1d0: {  	s24 =	sshll.u32 @p1 s24, $0xA;
	[tilespmem:s25+$0xFFFFFFE0] =	vst v62  }
0x1d1: {  	s24 =	sand.u32 @p1 $0x1FFFFC00, s24;
	[tilespmem:s25+$0x0] =	vst v63  }
0x1d2: {  	s22 =	sadd.s32 @p1 $0x3, s22;
	s24 =	sadd.s32 @p1 s6, s24;
	[tilespmem:s25+$0x10] =	vst v19  }
0x1d3: {  	s26 =	simm.s32 @p1 $0x0;
	s25 =	simm.s32 $0x1;
	_ =	strace $0x9000004B  }
0x1d4: {  	s25 =	simm.s32 @!p0 $0x0;
	p0 =	seq.s32 s21, $0x0;
	_ =	strace @p1 $0x8000004C  }
0x1d5: {  	[hbm4b:s24+s26] =	stream.linear.scatter @p1 [tilespmem:s23], [sflag:s22], $0x2000, $0x200038;
	[tilespmem:$0x8380] =	vst v63  }
0x1d6: {  	s22 =	simm.s32 $0x1;
	s24 =	simm.s32 $0x1;
	_ =	strace @p1 $0x9000004C  }
0x1d7: {  	s22 =	simm.s32 @!p1 $0x0;
	p1 =	sne.s32 s21, $0x0;
	s21 =	sadd.s32 $0x1, s21  }
0x1d8: {  	s23 =	sand.u32 @!p0 $0x1, s17;
	s24 =	simm.s32 @!p1 $0x0;
	p1 =	sne.s32 s21, $0x31  }
.Ltmp1:
0x1d9: {  	s23 =	sadd.s32 @!p0 $0x3, s23;
	_ =	strace @!p0 $0x8000004D;
	(pc) =	sbr.rel @p1 .LBB2_2-.Ltmp1, $4  }
0x1da: {  	_ =	swait.ge @!p0 [sflag:s23], $0x2000  }
0x1db: {  	[sflag:s23] =	ssyncset.done @!p0 $0x0  }
0x1dc: {  	s20 =	sadd.s32 s25, s20;
	s18 =	sadd.s32 s22, s18;
	[sflag:s23] =	ssyncadd.s32 @!p0 $0xFFFFE000  }
0x1dd: {  	s19 =	sadd.s32 s22, s19;
	s17 =	sadd.s32 s24, s17;
	_ =	strace @!p0 $0x9000004D  }
0x1de: {  	s15 =	sadd.s32 $0x1, s15  }
0x1df: {  	p0 =	sne.s32 s15, s9  }
.Ltmp2:
0x1e0: {  	_ =	strace $0x8000004E;
	(pc) =	sbr.rel @p0 .LBB2_1-.Ltmp2, $4  }
0x1e1: {  	_ =	swait.ge [sflag:s14], $0x2000  }
0x1e2: {  	[sflag:s14] =	ssyncset.done $0x0  }
0x1e3: {  	[sflag:s14] =	ssyncadd.s32 $0xFFFFE000  }
0x1e4: {  	_ =	strace $0x9000004E  }
0x1e5: {  	_ =	sfence.sel $0x180000  }
0x1e6: {  	[bflag:$0x0] =	sbarrier.arrive $0xFFFF  }
0x1e7: {  	p0 =	sne.s32 s3, $0x0;
	_ =	strace $0x90000047  }
0x1e8: {  	s0 =	sadd.s32 @!p0 $0x100000, s0;
	[bflag:$0x2] =	sbarrier.arrive $0xFFFF  }
0x1e9: {  	[sflag:s0] =	ssyncadd.tile.s32 @!p0 $0x1;
	_ =	shalt  }
.Lfunc_end2:
_tile_overlayer_lowered:
.L_overlay_start_2:
0x1ea: {  	(tag) =	ssettag $0x2  }
0x1eb: {  	s0 =	rddreg [dreg:$0x0];
	s2 =	stileid.u32  }
0x1ec: {  	s1 =	rddreg [dreg:$0x1];
	p0 =	sne.s32 s2, $0x0  }
0x1ed: {  	s3 =	rddreg [dreg:$0x2];
	[bflag:$0x3] =	sbarrier.arrive $0xFFFF;
	s2 =	simm.s32 @!p0 $0x1C01  }
0x1ee: {  	[timem:s3], [sflag:s2] =	dma.local @!p0 [hbm:s0], s1  }
0x1ef: {  	s0 =	simm.s32 @!p0 $0x1  }
0x1f0: {  	_ =	swait.ge @!p0 [sflag:s0], s1  }
0x1f1: {  	s1 =	ssub.s32 @!p0 $0x0, s1;
	[sflag:s0] =	ssyncset.done @!p0 $0x0  }
0x1f2: {  	[sflag:s0] =	ssyncadd.s32 @!p0 s1  }
0x1f3: {  	[bflag:$0x3] =	sbarrier.arrive $0xFFFF  }
0x1f4: {  	_ =	shalt  }

// kernel: sparse-core-data-format-call.cloned.1.call-start
scs
called_computation_lowered:
.L_overlay_start_0:
0x0: {  	s2 =	sld [smem:$0x3FD9]  }
0x1: {  	s3 =	sld [smem:$0x3FFE];
	_ =	sdelay $0x1  }
0x2: {  	s1 =	srdreg.scid  }
0x3: {  	s0 =	sand.u32 $0x1, s1  }
0x4: {  	s18 =	sshll.u32 s0, $0xA;
	s2 =	sadd.s32 s3, s2  }
0x5: {  	s2 =	sadd.s32 s2, s18  }
0x6: {  	[smem:$0x3FC5] =	sst s2  }
0x7: {  	_ = 	snop  }
0x8: {  	s2 =	sld [smem:$0x3FD0];
	(tm) =	ssettm $0x1  }
0x9: {  	s19 =	sld [smem:$0x3FFB];
	_ =	sdelay $0x3  }
0xa: {  	_ =	strace s19  }
0xb: {  	s3 =	sld [smem:$0x3FFC];
	_ =	sdelay $0x3  }
0xc: {  	_ =	strace s3  }
0xd: {  	s3 =	sld [smem:$0x3FFD];
	_ =	sdelay $0x3  }
0xe: {  	_ =	strace s3  }
0xf: {  	_ =	strace $0x8FFFFFFF  }
0x10: {  	s20 =	sld [smem:$0x3FDB];
	_ =	sdelay $0x1  }
0x11: {  	s4 =	simm.s32 $_scs_section_size  }
0x12: {  	s5 =	simm.s32 $_size__tile_overlayer_lowered;
	s6 =	simm.s32 $_tile_overlayer_lowered  }
0x13: {  	s23 =	simm.s32 $0x1BFF;
	s22 =	sshll.u32 s6, $0x1;
	s3 =	sadd.s32 s4, s20  }
0x14: {  	s7 =	simm.s32 $0x0;
	s21 =	sshll.u32 s5, $0x1;
	s5 =	sadd.s32 s22, s3  }
0x15: {  	[timem:s7], [sflag:s23] =	dma.local [hbm:s5], s21  }
0x16: {  	_ =	swait.ge [sflag:s23], s21  }
0x17: {  	s4 =	ssub.s32 $0x0, s21;
	[sflag:s23] =	ssyncset.done $0x0  }
0x18: {  	[sflag:s23] =	ssyncadd.s32 s4;
	_ =	sdelay $0x1  }
0x19: {  	s24 =	simm.s32 $0x1B8B  }
0x1a: {  	_ =	swait.ge [sflag:s24], $0x1  }
0x1b: {  	[sflag:s24] =	ssyncset.done $0x0  }
0x1c: {  	s26 =	simm.s32 $0x1B8E;
	s25 =	sld [smem:$0x3FFE];
	[sflag:s24] =	ssyncadd.s32 $0xFFFFFFFF  }
0x1d: {  	s27 =	simm.s32 $execute0_lowered;
	[smem:$0x3FD2] =	sst s26  }
0x1e: {  	s5 =	sshll.u32 s27, $0x1;
	_ =	strace $0x80000050;
	[dreg:$0x1] =	wrdreg $0xFFFFFFFF  }
0x1f: {  	s28 =	simm.s32 $_size_execute0_lowered;
	s3 =	sadd.s32 s3, s5;
	[dreg:$0x0] =	wrdreg $0x0  }
0x20: {  	s5 =	sshll.u32 s28, $0x1;
	[dreg:$0x2] =	wrdreg s3  }
0x21: {  	[dreg:$0x3] =	wrdreg s5  }
0x22: {  	[dreg:$0x4] =	wrdreg $0xC0  }
0x23: {  	_ =	task [dreg:s7], $0x5FFFF  }
0x24: {  	[dreg:$0x1] =	wrdreg $0xFFFFFFFF  }
0x25: {  	[dreg:$0x0] =	wrdreg $0x60  }
0x26: {  	[dreg:$0x2] =	wrdreg s25  }
0x27: {  	[dreg:$0x3] =	wrdreg s2  }
0x28: {  	[dreg:$0x4] =	wrdreg $0x9  }
0x29: {  	_ =	task.clear_ibuf [dreg:s7], $0x5FFFF;
	_ =	strace $0x90000050  }
0x2a: {  	s29 =	simm.s32 $0x9;
	_ =	strace $0x80000052  }
0x2b: {  	_ =	swait.ge [sflag:s29], $0x1  }
0x2c: {  	[sflag:s29] =	ssyncadd.s32 $0xFFFFFFFF  }
0x2d: {  	_ =	strace $0x90000052  }
0x2e: {  	_ =	sfence  }
0x2f: {  	s30 =	sld [smem:$0x0];
	_ =	sdelay $0x2  }
0x30: {  	s31 =	sshll.u32 s1, $0xD;
	s1 =	sshrl.u32 s1, $0x2  }
0x31: {  	s3 =	sand.u32 $0x4000, s31;
	s1 =	sadd.s32 s1, s30  }
0x32: {  	s0 =	sor.u32 s3, s0;
	s1 =	sshll.u32 s1, $0x11  }
0x33: {  	s0 =	sor.u32 s1, s0  }
0x34: {  	s0 =	sadd.s32 $0x8F2B, s0  }
0x35: {  	[sflag:s0] =	ssyncadd.remote.s32 $0x1  }
0x36: {  	_ =	sfence.sel $0xFFFF  }
0x37: {  	[dreg:$0x0] =	wrdreg $0xFFFFFFFF;
	(pc) =	sbr.abs _section_cstart, $3  }
0x38: {  	[dreg:$0x1] =	wrdreg $0xFFFFFFFF  }
0x39: {  	_ =	task.clear_ibuf [dreg:s7], $0x2FFFF;
	_ =	strace $0x9FFFFFFF  }
0x3a: {  	(tm) =	ssettm $0x7FFFFFFF  }
0x3b: {  	_ =	shalt  }
tec
execute0_lowered:
.L_overlay_start_1:
0x0: {  	(tag) =	ssettag $0x1  }
0x1: {  	s3 =	rddreg [dreg:$0x0]  }
0x2: {  	s0 =	srdreg.scid;
	s2 =	rddreg [dreg:$0x1]  }
0x3: {  	s7 =	simm.s32 $0x2;
	s16 =	simm.s32 $0x0;
	p0 =	por $0x0, $0x0  }
0x4: {  	s8 =	simm.s32 $0x800;
	s17 =	simm.s32 $0x0;
	s0 =	sshll.u32 s0, $0x7  }
0x5: {  	s18 =	simm.s32 $0x0;
	s9 =	simm.s32 $0x0;
	s1 =	sand.u32 $0x80, s0  }
0x6: {  	s10 =	simm.s32 $0x0;
	s11 =	simm.s32 $0x0;
	s4 =	ssub.s32 $0x100, s1  }
0x7: {  	s12 =	simm.s32 $0x0;
	s14 =	stileid.u32;
	s5 =	sshrl.u32 s4, $0x7  }
.Ltmp0:
0x8: {  	s6 =	sshrl.u32 s4, $0x8;
	s5 =	sand.u32 $0x1, s5;
	(pc) =	sbr.rel .LBB1_1-.Ltmp0, $4  }
0x9: {  	s15 =	simm.s32 $0x0;
	s0 =	rddreg [dreg:$0x2];
	s5 =	sadd.s32 s6, s5  }
0xa: {  	_ =	strace $0x80000051;
	s4 =	simm.s32 $0x1;
	s5 =	smul.u32 $0x38, s5  }
0xb: {  	s13 =	smov.u32 s1;
	[sflag:s4] =	ssyncpa.u1 $0x0;
	s6 =	sadd.s32 $0x188C00, s3  }
0xc: {  	s3 =	stileid.u32;
	[sflag:s7] =	ssyncpa.u1 $0x0;
	s7 =	sor.u32 $0x1, s5  }
.LBB1_4:
0xd: {  	s21 =	sshrl.u32 s10, $0x5;
	p1 =	sgt.s32 s11, $0xF;
	s22 =	smov.u32 s11  }
0xe: {  	s23 =	sshra.s32 s11, $0x1F;
	s25 =	sshra.s32 s10, $0x1F;
	p2 =	sgt.s32 s9, $0x37  }
0xf: {  	s29 =	sshra.s32 s9, $0x1F;
	s31 =	smul.u32 $0x18800, s11;
	s27 =	sshrl.u32 s10, $0x3  }
0x10: {  	s28 =	sand.u32 $0x7, s10;
	s21 =	sand.u32 $0xFFFFFC, s21;
	s22 =	simm.s32 @!p1 $0xF  }
0x11: {  	s23 =	sand.u32 s23, s11;
	p1 =	sgt.s32 s10, $0x80;
	s25 =	sand.u32 s25, s10  }
0x12: {  	s24 =	smulhi.u32 $0x4924925, s21;
	s22 =	ssub.s32 s22, s23;
	s23 =	smov.u32 s10  }
0x13: {  	s26 =	sadd.s32 $0xFFFFFFF1, s22;
	s23 =	simm.s32 @!p1 $0x80;
	s22 =	ssub.s32 $0x10, s22  }
0x14: {  	p1 =	sgt.s32 s26, $0x0;
	s23 =	ssub.s32 s23, s25;
	s22 =	smul.u32 $0x38, s22  }
0x15: {  	s26 =	smov.u32 s9;
	s24 =	smul.u32 $0x38, s24;
	s25 =	sadd.s32 $0xFFFFFF80, s23  }
0x16: {  	s26 =	simm.s32 @!p2 $0x37;
	p2 =	sgt.s32 s25, $0x7F;
	s25 =	sand.u32 s29, s9  }
0x17: {  	s23 =	ssub.s32 $0x100, s23;
	s22 =	simm.s32 @p1 $0x0;
	s25 =	ssub.s32 s26, s25  }
0x18: {  	s23 =	simm.s32 @p2 $0x0;
	s26 =	smul.u32 $0x700, s9;
	s30 =	sadd.s32 $0xFFFFFFC9, s25  }
0x19: {  	s22 =	smul.u32 s23, s22;
	s23 =	ssub.s32 $0x38, s25;
	p1 =	sgt.s32 s30, $0x0  }
0x1a: {  	s21 =	ssub.s32 s21, s24;
	s25 =	sadd.s32 s2, s31;
	s23 =	simm.s32 @p1 $0x0  }
0x1b: {  	[tilespmem:s20+$0x810 ss:$0x81] =	vst.msk $0xffff, v2;
	s24 =	sadd.s32 s26, s25;
	s22 =	smul.u32 s23, s22;
	s23 =	sand.u32 $0xF, s27  }
0x1c: {  	[tilespmem:s20+$0x1020 ss:$0x81] =	vst.msk $0xffff, v0;
	s29 =	sshll.u32 s28, $0x12;
	s21 =	sshll.u32 s21, $0x5;
	s23 =	sadd.s32 s23, s24  }
0x1d: {  	[tilespmem:s20+$0x0 ss:$0x81] =	vst.msk $0xffff, v1;
	s31 =	sor.u32 $0x400, s29;
	s30 =	sand.u32 $0x3FFFFFF8, s22;
	s21 =	sadd.s32 s21, s23  }
0x1e: {  	[hbm4b:s21+s31] =	stream.strided.scatter [tilespmem:s19], [sflag:$0x2], s30, s8, s31, $0x20;
	[tilespmem:$0x8080] =	vst v63  }
.LBB1_5:
0x1f: {  	p1 =	slt.u32 s15, $0x2  }
0x20: {  	p2 =	sgt.s32 @!p1 s18, $0xF  }
0x21: {  	s19 =	smov.u32 s18;
	s20 =	sshra.s32 @!p1 s18, $0x1F;
	p2 =	por !p2, p1  }
0x22: {  	p3 =	sgt.s32 @!p1 s17, $0x80;
	s18 =	sand.u32 @!p1 s20, s18;
	s19 =	simm.s32 @p2 $0xF  }
0x23: {  	s21 =	smov.u32 s16;
	p3 =	por !p3, p1;
	s18 =	ssub.s32 @!p1 s19, s18  }
0x24: {  	s20 =	sshra.s32 @!p1 s17, $0x1F;
	s19 =	sadd.s32 @!p1 $0xFFFFFFF1, s18;
	s18 =	ssub.s32 @!p1 $0x10, s18  }
0x25: {  	p2 =	sgt.s32 @!p1 s19, $0x0;
	s19 =	smov.u32 s17;
	s17 =	sand.u32 @!p1 s20, s17  }
0x26: {  	s20 =	sshra.s32 @!p1 s16, $0x1F;
	s19 =	simm.s32 @p3 $0x80;
	p3 =	sgt.s32 @!p1 s16, $0x37  }
0x27: {  	s18 =	smul.u32 @!p1 $0x38, s18;
	p3 =	por !p3, p1;
	s17 =	ssub.s32 @!p1 s19, s17  }
0x28: {  	s16 =	sand.u32 @!p1 s20, s16;
	s21 =	simm.s32 @p3 $0x37;
	s19 =	sadd.s32 @!p1 $0xFFFFFF80, s17  }
0x29: {  	p2 =	por !p2, p1;
	s16 =	ssub.s32 @!p1 s21, s16;
	p3 =	sgt.s32 @!p1 s19, $0x7F  }
0x2a: {  	s17 =	ssub.s32 @!p1 $0x100, s17;
	s20 =	sadd.s32 @!p1 $0xFFFFFFC9, s16;
	p3 =	por !p3, p1  }
0x2b: {  	s18 =	simm.s32 @!p2 $0x0;
	s17 =	simm.s32 @!p3 $0x0;
	p3 =	sgt.s32 @!p1 s20, $0x0  }
0x2c: {  	s16 =	ssub.s32 @!p1 $0x38, s16;
	p2 =	por !p3, p1;
	s17 =	smul.u32 @!p1 s17, s18  }
0x2d: {  	s19 =	sadd.s32 $0x1, s12;
	s20 =	smov.u32 s13;
	s16 =	simm.s32 @!p2 $0x0  }
0x2e: {  	p2 =	sgt.s32 s19, $0x37;
	s16 =	smul.u32 @!p1 s16, s17;
	s17 =	sadd.s32 $0x100, s13  }
0x2f: {  	s20 =	smov.u32 @p2 s17  }
0x30: {  	s22 =	smov.u32 s14;
	s17 =	sadd.s32 $0x10, s14;
	p3 =	sgt.s32 s20, $0xFF  }
0x31: {  	p0 =	por !p0, !p0;
	s21 =	simm.s32 @!p1 $0x2;
	s22 =	smov.u32 @p3 s17  }
0x32: {  	s18 =	smov.u32 s11;
	s19 =	simm.s32 @p2 $0x0;
	p2 =	sgt.s32 s22, $0xF  }
0x33: {  	s16 =	sand.u32 @!p1 $0x3FFFFFF8, s16;
	s22 =	smov.u32 @p2 s3;
	p2 =	sne.s32 s15, s7  }
.Ltmp1:
0x34: {  	s11 =	smov.u32 s14;
	_ =	swait.ge @!p1 [sflag:s21], s16;
	(pc) =	sbr.rel @!p2 .LBB1_6-.Ltmp1, $4  }
0x35: {  	s23 =	ssub.s32 @!p1 $0x0, s16;
	s20 =	smov.u32 @p3 s1;
	s16 =	smov.u32 s9  }
0x36: {  	s17 =	smov.u32 s10;
	s9 =	smov.u32 s12;
	s10 =	smov.u32 s13  }
0x37: {  	s12 =	smov.u32 s19;
	[sflag:s21] =	ssyncset.done @!p1 $0x0;
	s13 =	smov.u32 s20  }
0x38: {  	s15 =	sadd.s32 $0x1, s15;
	[sflag:s21] =	ssyncadd.s32 @!p1 s23;
	s14 =	smov.u32 s22  }
.LBB1_1:
0x39: {  	p1 =	sge.u32 s15, s5  }
0x3a: {  	s19 =	sand.u32 @!p1 $0x1FFFFFF, s12;
	s21 =	smul.u32 @!p1 $0x38000, s14  }
0x3b: {  	s20 =	smulhi.u32 @!p1 $0x4924925, s19  }
0x3c: {  	s23 =	smul.u32 @!p1 $0x380, s13  }
0x3d: {  	s20 =	smul.u32 @!p1 $0x38, s20  }
0x3e: {  	s31 =	sadd.s32 $0xFFFFFFFF, s15;
	s21 =	sadd.s32 @!p1 s6, s21  }
0x3f: {  	s22 =	sxor.u32 @!p1 $0xFFFFFFFF, s15;
	s21 =	sadd.s32 @!p1 s23, s21;
	s19 =	ssub.s32 @!p1 s19, s20  }
0x40: {  	s20 =	sshll.u32 @!p1 s22, $0xD;
	s22 =	simm.s32 @!p1 $0x1C00;
	s19 =	sshll.u32 @!p1 s19, $0x4  }
0x41: {  	s20 =	sand.u32 @!p1 $0x2000, s20;
	s19 =	sadd.s32 @!p1 s19, s21;
	s21 =	simm.s32 @!p1 $0x40  }
0x42: {  	[tilespmem:s20], [sflag:$0x1] =	stream.strided.gather @!p1 [hbm4b:s19+s21], $0x2000, s22, s21, $0x38;
	[tilespmem:$0x8080] =	vst v63  }
0x43: {  	p1 =	sge.u32 s31, s5  }
.Ltmp2:
0x44: {  	_ = 	snop;
	(pc) =	sbr.rel @p1 .LBB1_5-.Ltmp2, $1  }
0x45: {  	_ =	sdelay $0x3  }
0x46: {  	s19 =	simm.s32 $0x1  }
0x47: {  	_ =	swait.ge [sflag:s4], $0x2000;
	s19 =	simm.s32 @!p0 $0x0  }
0x48: {  	[sflag:s4] =	ssyncset.done $0x0;
	s20 =	sshll.u32 s19, $0xD  }
0x49: {  	[sflag:s4] =	ssyncadd.s32 $0xFFFFE000;
	s23 =	sor.u32 $0x20, s20  }
0x4a: {  	s19 =	smul.u32 $0x8100, s19;
	v3 =	vld [tilespmem:s23+$0x10]  }
0x4b: {  	s30 =	sand.u32 $0x1, s15;
	v2 =	vld [tilespmem:s23+$0xFFFFFFF0]  }
0x4c: {  	s20 =	smul.u32 $0x8100, s30;
	s19 =	sshrl.u32 s19, $0x2;
	v0 =	vld [tilespmem:s23+$0x0]  }
0x4d: {  	v1 =	vld [tilespmem:s23+$0xFFFFFFE0];
	s21 =	sor.u32 $0x4000, s19  }
0x4e: {  	s31 =	sshrl.u32 s20, $0x2;
	s20 =	sadd.s32 $0x0, s21  }
0x4f: {  	s22 =	simm.s32 $0x4;
	s23 =	sadd.s32 $0x40, s23;
	s19 =	sor.u32 $0x4000, s31;
	[tilespmem:s20+$0x1830 ss:$0x81] =	vst.msk $0xffff, v3  }
.LBB1_3:
0x50: {  	v3 =	vld [tilespmem:s23+$0x10];
	p1 =	sne.s32 s22, $0x1FC;
	[tilespmem:s20+$0x810 ss:$0x81] =	vst.msk $0xffff, v2;
	s24 =	smov.u32 s22;
	s22 =	sadd.s32 $0x4, s22  }
.Ltmp3:
0x51: {  	v2 =	vld [tilespmem:s23+$0xFFFFFFF0];
	[tilespmem:s20+$0x1020 ss:$0x81] =	vst.msk $0xffff, v0;
	(pc) =	sbr.rel @p1 .LBB1_3-.Ltmp3, $4  }
0x52: {  	v0 =	vld [tilespmem:s23+$0x0];
	[tilespmem:s20+$0x0 ss:$0x81] =	vst.msk $0xffff, v1  }
0x53: {  	s20 =	sshra.s32 s24, $0x2;
	v1 =	vld [tilespmem:s23+$0xFFFFFFE0]  }
0x54: {  	s20 =	sadd.s32 s20, s21  }
0x55: {  	s23 =	sadd.s32 $0x40, s23;
	[tilespmem:s20+$0x1830 ss:$0x81] =	vst.msk $0xffff, v3  }
.Ltmp4:
0x56: {  	_ = 	snop;
	(pc) =	sbr.rel .LBB1_4-.Ltmp4, $1  }
0x57: {  	_ =	sdelay $0x3  }
.LBB1_6:
0x58: {  	_ =	sfence.sel $0x180000  }
0x59: {  	s1 =	simm.s32 $0x1;
	[bflag:$0x0] =	sbarrier.arrive $0xFFFF  }
0x5a: {  	s31 =	simm.s32 $0x2;
	[sflag:s1] =	ssyncpa.u1 $0x1  }
0x5b: {  	[sflag:s31] =	ssyncpa.u1 $0x1  }
0x5c: {  	p0 =	sne.s32 s3, $0x0;
	_ =	strace $0x90000051  }
0x5d: {  	s0 =	sadd.s32 @!p0 $0x100000, s0;
	[bflag:$0x2] =	sbarrier.arrive $0xFFFF  }
0x5e: {  	[sflag:s0] =	ssyncadd.tile.s32 @!p0 $0x1;
	_ =	shalt  }
.Lfunc_end1:
_tile_overlayer_lowered:
.L_overlay_start_2:
0x5f: {  	(tag) =	ssettag $0x2  }
0x60: {  	s0 =	rddreg [dreg:$0x0];
	s2 =	stileid.u32  }
0x61: {  	s1 =	rddreg [dreg:$0x1];
	p0 =	sne.s32 s2, $0x0  }
0x62: {  	s3 =	rddreg [dreg:$0x2];
	[bflag:$0x3] =	sbarrier.arrive $0xFFFF;
	s2 =	simm.s32 @!p0 $0x1C01  }
0x63: {  	[timem:s3], [sflag:s2] =	dma.local @!p0 [hbm:s0], s1  }
0x64: {  	s0 =	simm.s32 @!p0 $0x1  }
0x65: {  	_ =	swait.ge @!p0 [sflag:s0], s1  }
0x66: {  	s1 =	ssub.s32 @!p0 $0x0, s1;
	[sflag:s0] =	ssyncset.done @!p0 $0x0  }
0x67: {  	[sflag:s0] =	ssyncadd.s32 @!p0 s1  }
0x68: {  	[bflag:$0x3] =	sbarrier.arrive $0xFFFF  }
0x69: {  	_ =	shalt  }

</sc_bundles>
